<compile_context>
chip_gen: v7x
topology: tpu7x:2x2x1
jax: 0.10.2.dev20260603
libtpu: 0.0.44.dev20260713+nightly
codegen_flags: <defaults>
</compile_context>

<pallas_src>
import functools

import jax
import jax.numpy as jnp
from jax import lax
from jax.experimental import pallas as pl
from jax.experimental.pallas import tpu as pltpu
from jax.experimental.pallas import tpu_sc as plsc

EMB = 128
N_ROWS = 100000
TROWS = 94
ROWS_A = 4128
ROWS_B = 2120
ROWS_C = 2152
CORE1_BASE = 16 * ROWS_A
NBUF = 2
CHUNK_MAX = 448

SIZES_A = (160, 448, 448, 448, 448, 448, 448, 448, 448, 384)
SIZES_B = (160, 448, 448, 448, 448, 168)
SIZES_C = (160, 448, 448, 448, 448, 200)
CLS_SIZES = (SIZES_A, SIZES_B, SIZES_C)
ITERS = max(len(s) for s in CLS_SIZES)


def _offs(sizes):
    o, acc = [], 0
    for s in sizes:
        o.append(acc)
        acc += s
    return tuple(o)


CLS_OFFS = tuple(_offs(s) for s in CLS_SIZES)


@jax.jit
def _sc_gather(table94, idx):
    mesh = plsc.VectorSubcoreMesh(core_axis_name="c", subcore_axis_name="s")

    @functools.partial(
        pl.kernel,
        out_type=jax.ShapeDtypeStruct((N_ROWS, EMB), jnp.float32),
        mesh=mesh,
        scratch_types=(
            [pltpu.VMEM_SHARED((TROWS, EMB), jnp.float32),
             pltpu.VMEM((ROWS_A,), jnp.int32)]
            + [pltpu.VMEM((CHUNK_MAX, EMB), jnp.float32) for _ in range(NBUF)]
            + [pltpu.SemaphoreType.DMA for _ in range(2 * NBUF + 1)]
        ),
    )
    def k(table_hbm, idx_hbm, out_hbm, table_sv, idx_v, *scratch):
        row_b = scratch[:NBUF]
        gsem = scratch[NBUF:2 * NBUF]
        wsem = scratch[2 * NBUF:3 * NBUF]
        isem = scratch[3 * NBUF]
        c_ax = lax.axis_index("c")
        s_ax = lax.axis_index("s")
        on_a = c_ax == 1
        on_c = jnp.logical_and(c_ax == 0, s_ax == 15)
        on_b = jnp.logical_and(c_ax == 0, s_ax != 15)
        cls_pred = (on_a, on_b, on_c)
        base = jnp.where(on_a, s_ax * ROWS_A, CORE1_BASE + s_ax * ROWS_B)
        nrows = (ROWS_A, ROWS_B, ROWS_C)

        for cls in range(3):
            @pl.when(cls_pred[cls])
            def _(cls=cls):
                pltpu.async_copy(idx_hbm.at[pl.ds(base, nrows[cls])],
                                 idx_v.at[pl.ds(0, nrows[cls])], isem)

        @pl.when(s_ax == 0)
        def _():
            pltpu.sync_copy(table_hbm, table_sv)

        plsc.subcore_barrier()

        for cls in range(3):
            @pl.when(cls_pred[cls])
            def _(cls=cls):
                pltpu.make_async_copy(idx_hbm.at[pl.ds(base, nrows[cls])],
                                      idx_v.at[pl.ds(0, nrows[cls])],
                                      isem).wait()

        def chunk_ops(n, off, b):
            idx_ref = idx_v.at[pl.ds(off, n)]
            rows = row_b[b].at[pl.ds(0, n)]
            out = out_hbm.at[pl.ds(base + off, n)]
            return idx_ref, rows, out

        def start_gather(n, off, b):
            idx_ref, rows, _ = chunk_ops(n, off, b)
            pltpu.async_copy(table_sv.at[idx_ref], rows, gsem[b])

        def start_write(n, off, b):
            idx_ref, rows, out = chunk_ops(n, off, b)
            pltpu.make_async_copy(table_sv.at[idx_ref], rows, gsem[b]).wait()
            pltpu.async_copy(rows, out, wsem[b])

        def finish_write(n, off, b):
            _, rows, out = chunk_ops(n, off, b)
            pltpu.make_async_copy(rows, out, wsem[b]).wait()

        def per_chunk(fn, i):
            b = i % NBUF
            live = [cls for cls in range(3) if i < len(CLS_SIZES[cls])]
            variants = sorted({(CLS_SIZES[cls][i], CLS_OFFS[cls][i])
                               for cls in live})
            if len(variants) == 1 and len(live) == 3:
                n, off = variants[0]
                fn(n, off, b)
            else:
                for n, off in variants:
                    preds = [cls_pred[cls] for cls in live
                             if (CLS_SIZES[cls][i], CLS_OFFS[cls][i])
                             == (n, off)]
                    p = preds[0]
                    for q in preds[1:]:
                        p = jnp.logical_or(p, q)

                    @pl.when(p)
                    def _(n=n, off=off):
                        fn(n, off, b)

        for i in range(NBUF):
            per_chunk(start_gather, i)
        for i in range(ITERS):
            per_chunk(start_write, i)
            if i + NBUF < ITERS:
                per_chunk(finish_write, i)
                per_chunk(start_gather, i + NBUF)
        for i in range(ITERS - NBUF, ITERS):
            per_chunk(finish_write, i)

    return k(table94, idx)


def kernel(Z, table):
    table94 = jnp.concatenate([jnp.zeros((1, EMB), table.dtype), table], axis=0)
    return _sc_gather(table94, Z.astype(jnp.int32))

# --- scband reference (transcript-rebuilt; emitter-appended) ---
"""Pipeline reference for scband-atom-embedding-33200097198198 (READ-ONLY COPY).

The authoritative reference and input builder live on the scoring server;
editing this copy changes nothing except your own understanding.
"""

import jax, jax.numpy as jnp
import numpy as np

EMB_SIZE = 128
N_ATOMS = 100000
NUM_TYPES = 93

def setup_inputs(seed: int = 0) -> dict:
    key = jax.random.key(seed)
    k1, k2 = jax.random.split(key)
    # Atomic numbers Z in [1, 93] so that Z - 1 indexes the 93-row table in-range.
    Z = jax.random.randint(k1, (N_ATOMS,), 1, NUM_TYPES + 1, dtype=jnp.int64 if jax.config.read('jax_enable_x64') else jnp.int32)
    # Embedding table initialized uniform(-sqrt(3), sqrt(3)) as in the torch module.
    table = jax.random.uniform(k2, (NUM_TYPES, EMB_SIZE), dtype=jnp.float32,
                               minval=-np.sqrt(3), maxval=np.sqrt(3))
    return {"Z": Z, "table": table}

def reference(Z, table):
    # h = embeddings(Z - 1)
    h = jnp.take(table, Z - 1, axis=0)
    return h

if __name__ == "__main__":
    import jax
    _d = setup_inputs()
    print(jax.jit(kernel)(*tuple(_d.values())))

</pallas_src>

<mosaic_0001>
#map = affine_map<(d0, d1) -> (0, 0)>
#map1 = affine_map<(d0, d1) -> (0)>
module attributes {stable_mosaic.version = 14 : i64} {
  func.func @k(%arg0: i32, %arg1: i32, %arg2: memref<94x128xf32, #tpu.memory_space<hbm>>, %arg3: memref<100000xi32, #tpu.memory_space<hbm>>, %arg4: memref<100000x128xf32, #tpu.memory_space<hbm>>, %arg5: memref<94x128xf32, #tpu.memory_space<vmem_shared>>, %arg6: memref<4128xi32, #tpu.memory_space<vmem>>, %arg7: memref<448x128xf32, #tpu.memory_space<vmem>>, %arg8: memref<448x128xf32, #tpu.memory_space<vmem>>, %arg9: memref<!tpu.dma_semaphore, #tpu.memory_space<semaphore_mem>>, %arg10: memref<!tpu.dma_semaphore, #tpu.memory_space<semaphore_mem>>, %arg11: memref<!tpu.dma_semaphore, #tpu.memory_space<semaphore_mem>>, %arg12: memref<!tpu.dma_semaphore, #tpu.memory_space<semaphore_mem>>, %arg13: memref<!tpu.dma_semaphore, #tpu.memory_space<semaphore_mem>>) attributes {dimension_semantics = [#tpu.dimension_semantics<core_parallel>, #tpu.dimension_semantics<subcore_parallel>], iteration_bounds = array<i64: 2, 16>, scalar_prefetch = 0 : i64, scratch_operands = 9 : i64, tpu.core_type = #tpu.core_type<sc_vector_subcore>, window_params = [{transform_indices = #map}, {transform_indices = #map1}, {transform_indices = #map}]} {
    %eq3A = arith.constant 1 : i32
    %eq3A_0 = arith.cmpi eq, %arg0, %eq3A : i32
    %eq3A_1 = arith.constant 0 : i32
    %eq3A_2 = arith.cmpi eq, %arg0, %eq3A_1 : i32
    %eq3A_3 = arith.constant 15 : i32
    %eq3A_4 = arith.cmpi eq, %arg1, %eq3A_3 : i32
    %and3A = arith.andi %eq3A_2, %eq3A_4 : i1
    %eq3A_5 = arith.constant 0 : i32
    %eq3A_6 = arith.cmpi eq, %arg0, %eq3A_5 : i32
    %ne3A = arith.constant 15 : i32
    %ne3A_7 = arith.cmpi ne, %arg1, %ne3A : i32
    %and3A_8 = arith.andi %eq3A_6, %ne3A_7 : i1
    %mul3A = arith.constant 4128 : i32
    %mul3A_9 = arith.muli %arg1, %mul3A : i32
    %mul3A_10 = arith.constant 2120 : i32
    %mul3A_11 = arith.muli %arg1, %mul3A_10 : i32
    %add3A = arith.constant 66048 : i32
    %add3A_12 = arith.addi %add3A, %mul3A_11 : i32
    %select_n3A = arith.select %eq3A_0, %mul3A_9, %add3A_12 : i32
    %convert_element_type3A = arith.extui %eq3A_0 : i1 to i32
    %cond3A = arith.constant 0 : i32
    %cond3A_13 = arith.cmpi ne, %convert_element_type3A, %cond3A : i32
    scf.if %cond3A_13 {
      %dma_start3A_305 = arith.constant 0 : i32
      %dma_start3A_306 = tpu.memref_slice %arg6[%dma_start3A_305] : memref<4128xi32, #tpu.memory_space<vmem>> -> memref<4128xi32, #tpu.memory_space<vmem>>
      %dma_start3A_307 = tpu.memref_slice %arg3[%select_n3A] : memref<100000xi32, #tpu.memory_space<hbm>> -> memref<4128xi32, #tpu.memory_space<hbm>>
      %dma_start3A_308 = arith.constant 0 : i32
      %dma_start3A_309 = tpu.memref_slice %arg6[%dma_start3A_308] : memref<4128xi32, #tpu.memory_space<vmem>> -> memref<4128xi32, #tpu.memory_space<vmem>>
      %dma_start3A_310 = tpu.memref_slice %arg3[%select_n3A] : memref<100000xi32, #tpu.memory_space<hbm>> -> memref<4128xi32, #tpu.memory_space<hbm>>
      tpu.enqueue_dma source(%dma_start3A_310 : memref<4128xi32, #tpu.memory_space<hbm>>) target(%dma_start3A_309 : memref<4128xi32, #tpu.memory_space<vmem>>) target_semaphore(%arg13 : memref<!tpu.dma_semaphore, #tpu.memory_space<semaphore_mem>>)
    } else {
    }
    %convert_element_type3A_14 = arith.extui %and3A_8 : i1 to i32
    %cond3A_15 = arith.constant 0 : i32
    %cond3A_16 = arith.cmpi ne, %convert_element_type3A_14, %cond3A_15 : i32
    scf.if %cond3A_16 {
      %dma_start3A_305 = arith.constant 0 : i32
      %dma_start3A_306 = tpu.memref_slice %arg6[%dma_start3A_305] : memref<4128xi32, #tpu.memory_space<vmem>> -> memref<2120xi32, #tpu.memory_space<vmem>>
      %dma_start3A_307 = tpu.memref_slice %arg3[%select_n3A] : memref<100000xi32, #tpu.memory_space<hbm>> -> memref<2120xi32, #tpu.memory_space<hbm>>
      %dma_start3A_308 = arith.constant 0 : i32
      %dma_start3A_309 = tpu.memref_slice %arg6[%dma_start3A_308] : memref<4128xi32, #tpu.memory_space<vmem>> -> memref<2120xi32, #tpu.memory_space<vmem>>
      %dma_start3A_310 = tpu.memref_slice %arg3[%select_n3A] : memref<100000xi32, #tpu.memory_space<hbm>> -> memref<2120xi32, #tpu.memory_space<hbm>>
      tpu.enqueue_dma source(%dma_start3A_310 : memref<2120xi32, #tpu.memory_space<hbm>>) target(%dma_start3A_309 : memref<2120xi32, #tpu.memory_space<vmem>>) target_semaphore(%arg13 : memref<!tpu.dma_semaphore, #tpu.memory_space<semaphore_mem>>)
    } else {
    }
    %convert_element_type3A_17 = arith.extui %and3A : i1 to i32
    %cond3A_18 = arith.constant 0 : i32
    %cond3A_19 = arith.cmpi ne, %convert_element_type3A_17, %cond3A_18 : i32
    scf.if %cond3A_19 {
      %dma_start3A_305 = arith.constant 0 : i32
      %dma_start3A_306 = tpu.memref_slice %arg6[%dma_start3A_305] : memref<4128xi32, #tpu.memory_space<vmem>> -> memref<2152xi32, #tpu.memory_space<vmem>>
      %dma_start3A_307 = tpu.memref_slice %arg3[%select_n3A] : memref<100000xi32, #tpu.memory_space<hbm>> -> memref<2152xi32, #tpu.memory_space<hbm>>
      %dma_start3A_308 = arith.constant 0 : i32
      %dma_start3A_309 = tpu.memref_slice %arg6[%dma_start3A_308] : memref<4128xi32, #tpu.memory_space<vmem>> -> memref<2152xi32, #tpu.memory_space<vmem>>
      %dma_start3A_310 = tpu.memref_slice %arg3[%select_n3A] : memref<100000xi32, #tpu.memory_space<hbm>> -> memref<2152xi32, #tpu.memory_space<hbm>>
      tpu.enqueue_dma source(%dma_start3A_310 : memref<2152xi32, #tpu.memory_space<hbm>>) target(%dma_start3A_309 : memref<2152xi32, #tpu.memory_space<vmem>>) target_semaphore(%arg13 : memref<!tpu.dma_semaphore, #tpu.memory_space<semaphore_mem>>)
    } else {
    }
    %eq3A_20 = arith.constant 0 : i32
    %eq3A_21 = arith.cmpi eq, %arg1, %eq3A_20 : i32
    %convert_element_type3A_22 = arith.extui %eq3A_21 : i1 to i32
    %cond3A_23 = arith.constant 0 : i32
    %cond3A_24 = arith.cmpi ne, %convert_element_type3A_22, %cond3A_23 : i32
    scf.if %cond3A_24 {
      "tpu.region"() ({
        %run_scoped3A = tpu.sem_alloc : memref<!tpu.dma_semaphore, #tpu.memory_space<semaphore_mem>>
        tpu.enqueue_dma source(%arg2 : memref<94x128xf32, #tpu.memory_space<hbm>>) target(%arg5 : memref<94x128xf32, #tpu.memory_space<vmem_shared>>) target_semaphore(%run_scoped3A : memref<!tpu.dma_semaphore, #tpu.memory_space<semaphore_mem>>)
        tpu.wait_dma2 semaphore(%run_scoped3A : memref<!tpu.dma_semaphore, #tpu.memory_space<semaphore_mem>>) src(%arg2 : memref<94x128xf32, #tpu.memory_space<hbm>>) dst(%arg5 : memref<94x128xf32, #tpu.memory_space<vmem_shared>>)
        tpu.yield
      }) : () -> ()
    } else {
    }
    %barrier3A = arith.constant 0 : index
    tpu.barrier barrier_id(%barrier3A)
    %convert_element_type3A_25 = arith.extui %eq3A_0 : i1 to i32
    %cond3A_26 = arith.constant 0 : i32
    %cond3A_27 = arith.cmpi ne, %convert_element_type3A_25, %cond3A_26 : i32
    scf.if %cond3A_27 {
      %dma_wait3A_305 = arith.constant 0 : i32
      %dma_wait3A_306 = tpu.memref_slice %arg6[%dma_wait3A_305] : memref<4128xi32, #tpu.memory_space<vmem>> -> memref<4128xi32, #tpu.memory_space<vmem>>
      %dma_wait3A_307 = tpu.memref_slice %arg3[%select_n3A] : memref<100000xi32, #tpu.memory_space<hbm>> -> memref<4128xi32, #tpu.memory_space<hbm>>
      %dma_wait3A_308 = arith.constant 0 : i32
      %dma_wait3A_309 = tpu.memref_slice %arg6[%dma_wait3A_308] : memref<4128xi32, #tpu.memory_space<vmem>> -> memref<4128xi32, #tpu.memory_space<vmem>>
      %dma_wait3A_310 = tpu.memref_slice %arg3[%select_n3A] : memref<100000xi32, #tpu.memory_space<hbm>> -> memref<4128xi32, #tpu.memory_space<hbm>>
      tpu.wait_dma2 semaphore(%arg13 : memref<!tpu.dma_semaphore, #tpu.memory_space<semaphore_mem>>) src(%dma_wait3A_310 : memref<4128xi32, #tpu.memory_space<hbm>>) dst(%dma_wait3A_309 : memref<4128xi32, #tpu.memory_space<vmem>>)
    } else {
    }
    %convert_element_type3A_28 = arith.extui %and3A_8 : i1 to i32
    %cond3A_29 = arith.constant 0 : i32
    %cond3A_30 = arith.cmpi ne, %convert_element_type3A_28, %cond3A_29 : i32
    scf.if %cond3A_30 {
      %dma_wait3A_305 = arith.constant 0 : i32
      %dma_wait3A_306 = tpu.memref_slice %arg6[%dma_wait3A_305] : memref<4128xi32, #tpu.memory_space<vmem>> -> memref<2120xi32, #tpu.memory_space<vmem>>
      %dma_wait3A_307 = tpu.memref_slice %arg3[%select_n3A] : memref<100000xi32, #tpu.memory_space<hbm>> -> memref<2120xi32, #tpu.memory_space<hbm>>
      %dma_wait3A_308 = arith.constant 0 : i32
      %dma_wait3A_309 = tpu.memref_slice %arg6[%dma_wait3A_308] : memref<4128xi32, #tpu.memory_space<vmem>> -> memref<2120xi32, #tpu.memory_space<vmem>>
      %dma_wait3A_310 = tpu.memref_slice %arg3[%select_n3A] : memref<100000xi32, #tpu.memory_space<hbm>> -> memref<2120xi32, #tpu.memory_space<hbm>>
      tpu.wait_dma2 semaphore(%arg13 : memref<!tpu.dma_semaphore, #tpu.memory_space<semaphore_mem>>) src(%dma_wait3A_310 : memref<2120xi32, #tpu.memory_space<hbm>>) dst(%dma_wait3A_309 : memref<2120xi32, #tpu.memory_space<vmem>>)
    } else {
    }
    %convert_element_type3A_31 = arith.extui %and3A : i1 to i32
    %cond3A_32 = arith.constant 0 : i32
    %cond3A_33 = arith.cmpi ne, %convert_element_type3A_31, %cond3A_32 : i32
    scf.if %cond3A_33 {
      %dma_wait3A_305 = arith.constant 0 : i32
      %dma_wait3A_306 = tpu.memref_slice %arg6[%dma_wait3A_305] : memref<4128xi32, #tpu.memory_space<vmem>> -> memref<2152xi32, #tpu.memory_space<vmem>>
      %dma_wait3A_307 = tpu.memref_slice %arg3[%select_n3A] : memref<100000xi32, #tpu.memory_space<hbm>> -> memref<2152xi32, #tpu.memory_space<hbm>>
      %dma_wait3A_308 = arith.constant 0 : i32
      %dma_wait3A_309 = tpu.memref_slice %arg6[%dma_wait3A_308] : memref<4128xi32, #tpu.memory_space<vmem>> -> memref<2152xi32, #tpu.memory_space<vmem>>
      %dma_wait3A_310 = tpu.memref_slice %arg3[%select_n3A] : memref<100000xi32, #tpu.memory_space<hbm>> -> memref<2152xi32, #tpu.memory_space<hbm>>
      tpu.wait_dma2 semaphore(%arg13 : memref<!tpu.dma_semaphore, #tpu.memory_space<semaphore_mem>>) src(%dma_wait3A_310 : memref<2152xi32, #tpu.memory_space<hbm>>) dst(%dma_wait3A_309 : memref<2152xi32, #tpu.memory_space<vmem>>)
    } else {
    }
    %add3A_34 = arith.constant 0 : i32
    %add3A_35 = arith.addi %select_n3A, %add3A_34 : i32
    %dma_start3A = arith.constant 0 : i32
    %dma_start3A_36 = arith.constant 0 : i32
    %dma_start3A_37 = tpu.memref_slice %arg7[%dma_start3A, %dma_start3A_36] : memref<448x128xf32, #tpu.memory_space<vmem>> -> memref<160x128xf32, #tpu.memory_space<vmem>>
    %dma_start3A_38 = arith.constant 0 : i32
    %dma_start3A_39 = tpu.memref_slice %arg6[%dma_start3A_38] : memref<4128xi32, #tpu.memory_space<vmem>> -> memref<160xi32, #tpu.memory_space<vmem>>
    %dma_start3A_40 = arith.constant 0 : i32
    %dma_start3A_41 = arith.constant 0 : i32
    %dma_start3A_42 = tpu.memref_slice %arg5[%dma_start3A_40, %dma_start3A_41] : memref<94x128xf32, #tpu.memory_space<vmem_shared>> -> memref<94x128xf32, #tpu.memory_space<vmem_shared>>
    tpu.enqueue_indirect_dma source(%dma_start3A_42 : memref<94x128xf32, #tpu.memory_space<vmem_shared>>) target(%dma_start3A_37 : memref<160x128xf32, #tpu.memory_space<vmem>>) offsets(%dma_start3A_39 : memref<160xi32, #tpu.memory_space<vmem>>) semaphore(%arg9 : memref<!tpu.dma_semaphore, #tpu.memory_space<semaphore_mem>>)
    %add3A_43 = arith.constant 160 : i32
    %add3A_44 = arith.addi %select_n3A, %add3A_43 : i32
    %dma_start3A_45 = arith.constant 0 : i32
    %dma_start3A_46 = arith.constant 0 : i32
    %dma_start3A_47 = tpu.memref_slice %arg8[%dma_start3A_45, %dma_start3A_46] : memref<448x128xf32, #tpu.memory_space<vmem>> -> memref<448x128xf32, #tpu.memory_space<vmem>>
    %dma_start3A_48 = arith.constant 160 : i32
    %dma_start3A_49 = tpu.memref_slice %arg6[%dma_start3A_48] : memref<4128xi32, #tpu.memory_space<vmem>> -> memref<448xi32, #tpu.memory_space<vmem>>
    %dma_start3A_50 = arith.constant 0 : i32
    %dma_start3A_51 = arith.constant 0 : i32
    %dma_start3A_52 = tpu.memref_slice %arg5[%dma_start3A_50, %dma_start3A_51] : memref<94x128xf32, #tpu.memory_space<vmem_shared>> -> memref<94x128xf32, #tpu.memory_space<vmem_shared>>
    tpu.enqueue_indirect_dma source(%dma_start3A_52 : memref<94x128xf32, #tpu.memory_space<vmem_shared>>) target(%dma_start3A_47 : memref<448x128xf32, #tpu.memory_space<vmem>>) offsets(%dma_start3A_49 : memref<448xi32, #tpu.memory_space<vmem>>) semaphore(%arg10 : memref<!tpu.dma_semaphore, #tpu.memory_space<semaphore_mem>>)
    %add3A_53 = arith.constant 0 : i32
    %add3A_54 = arith.addi %select_n3A, %add3A_53 : i32
    %dma_wait3A = arith.constant 0 : i32
    %dma_wait3A_55 = arith.constant 0 : i32
    %dma_wait3A_56 = tpu.memref_slice %arg7[%dma_wait3A, %dma_wait3A_55] : memref<448x128xf32, #tpu.memory_space<vmem>> -> memref<160x128xf32, #tpu.memory_space<vmem>>
    %dma_wait3A_57 = arith.constant 0 : i32
    %dma_wait3A_58 = tpu.memref_slice %arg6[%dma_wait3A_57] : memref<4128xi32, #tpu.memory_space<vmem>> -> memref<160xi32, #tpu.memory_space<vmem>>
    %dma_wait3A_59 = arith.constant 0 : i32
    %dma_wait3A_60 = arith.constant 0 : i32
    %dma_wait3A_61 = tpu.memref_slice %arg5[%dma_wait3A_59, %dma_wait3A_60] : memref<94x128xf32, #tpu.memory_space<vmem_shared>> -> memref<94x128xf32, #tpu.memory_space<vmem_shared>>
    tpu.wait_indirect_dma semaphore(%arg9 : memref<!tpu.dma_semaphore, #tpu.memory_space<semaphore_mem>>) src(%dma_wait3A_61 : memref<94x128xf32, #tpu.memory_space<vmem_shared>>) dst(%dma_wait3A_56 : memref<160x128xf32, #tpu.memory_space<vmem>>)
    %dma_start3A_62 = arith.constant 0 : i32
    %dma_start3A_63 = arith.constant 0 : i32
    %dma_start3A_64 = tpu.memref_slice %arg7[%dma_start3A_62, %dma_start3A_63] : memref<448x128xf32, #tpu.memory_space<vmem>> -> memref<160x128xf32, #tpu.memory_space<vmem>>
    %dma_start3A_65 = arith.constant 0 : i32
    %dma_start3A_66 = tpu.memref_slice %arg4[%add3A_54, %dma_start3A_65] : memref<100000x128xf32, #tpu.memory_space<hbm>> -> memref<160x128xf32, #tpu.memory_space<hbm>>
    %dma_start3A_67 = arith.constant 0 : i32
    %dma_start3A_68 = tpu.memref_slice %arg4[%add3A_54, %dma_start3A_67] : memref<100000x128xf32, #tpu.memory_space<hbm>> -> memref<160x128xf32, #tpu.memory_space<hbm>>
    %dma_start3A_69 = arith.constant 0 : i32
    %dma_start3A_70 = arith.constant 0 : i32
    %dma_start3A_71 = tpu.memref_slice %arg7[%dma_start3A_69, %dma_start3A_70] : memref<448x128xf32, #tpu.memory_space<vmem>> -> memref<160x128xf32, #tpu.memory_space<vmem>>
    tpu.enqueue_dma source(%dma_start3A_71 : memref<160x128xf32, #tpu.memory_space<vmem>>) target(%dma_start3A_68 : memref<160x128xf32, #tpu.memory_space<hbm>>) target_semaphore(%arg11 : memref<!tpu.dma_semaphore, #tpu.memory_space<semaphore_mem>>)
    %add3A_72 = arith.constant 0 : i32
    %add3A_73 = arith.addi %select_n3A, %add3A_72 : i32
    %dma_wait3A_74 = arith.constant 0 : i32
    %dma_wait3A_75 = arith.constant 0 : i32
    %dma_wait3A_76 = tpu.memref_slice %arg7[%dma_wait3A_74, %dma_wait3A_75] : memref<448x128xf32, #tpu.memory_space<vmem>> -> memref<160x128xf32, #tpu.memory_space<vmem>>
    %dma_wait3A_77 = arith.constant 0 : i32
    %dma_wait3A_78 = tpu.memref_slice %arg4[%add3A_73, %dma_wait3A_77] : memref<100000x128xf32, #tpu.memory_space<hbm>> -> memref<160x128xf32, #tpu.memory_space<hbm>>
    %dma_wait3A_79 = arith.constant 0 : i32
    %dma_wait3A_80 = tpu.memref_slice %arg4[%add3A_73, %dma_wait3A_79] : memref<100000x128xf32, #tpu.memory_space<hbm>> -> memref<160x128xf32, #tpu.memory_space<hbm>>
    %dma_wait3A_81 = arith.constant 0 : i32
    %dma_wait3A_82 = arith.constant 0 : i32
    %dma_wait3A_83 = tpu.memref_slice %arg7[%dma_wait3A_81, %dma_wait3A_82] : memref<448x128xf32, #tpu.memory_space<vmem>> -> memref<160x128xf32, #tpu.memory_space<vmem>>
    tpu.wait_dma2 semaphore(%arg11 : memref<!tpu.dma_semaphore, #tpu.memory_space<semaphore_mem>>) src(%dma_wait3A_83 : memref<160x128xf32, #tpu.memory_space<vmem>>) dst(%dma_wait3A_80 : memref<160x128xf32, #tpu.memory_space<hbm>>)
    %add3A_84 = arith.constant 608 : i32
    %add3A_85 = arith.addi %select_n3A, %add3A_84 : i32
    %dma_start3A_86 = arith.constant 0 : i32
    %dma_start3A_87 = arith.constant 0 : i32
    %dma_start3A_88 = tpu.memref_slice %arg7[%dma_start3A_86, %dma_start3A_87] : memref<448x128xf32, #tpu.memory_space<vmem>> -> memref<448x128xf32, #tpu.memory_space<vmem>>
    %dma_start3A_89 = arith.constant 608 : i32
    %dma_start3A_90 = tpu.memref_slice %arg6[%dma_start3A_89] : memref<4128xi32, #tpu.memory_space<vmem>> -> memref<448xi32, #tpu.memory_space<vmem>>
    %dma_start3A_91 = arith.constant 0 : i32
    %dma_start3A_92 = arith.constant 0 : i32
    %dma_start3A_93 = tpu.memref_slice %arg5[%dma_start3A_91, %dma_start3A_92] : memref<94x128xf32, #tpu.memory_space<vmem_shared>> -> memref<94x128xf32, #tpu.memory_space<vmem_shared>>
    tpu.enqueue_indirect_dma source(%dma_start3A_93 : memref<94x128xf32, #tpu.memory_space<vmem_shared>>) target(%dma_start3A_88 : memref<448x128xf32, #tpu.memory_space<vmem>>) offsets(%dma_start3A_90 : memref<448xi32, #tpu.memory_space<vmem>>) semaphore(%arg9 : memref<!tpu.dma_semaphore, #tpu.memory_space<semaphore_mem>>)
    %add3A_94 = arith.constant 160 : i32
    %add3A_95 = arith.addi %select_n3A, %add3A_94 : i32
    %dma_wait3A_96 = arith.constant 0 : i32
    %dma_wait3A_97 = arith.constant 0 : i32
    %dma_wait3A_98 = tpu.memref_slice %arg8[%dma_wait3A_96, %dma_wait3A_97] : memref<448x128xf32, #tpu.memory_space<vmem>> -> memref<448x128xf32, #tpu.memory_space<vmem>>
    %dma_wait3A_99 = arith.constant 160 : i32
    %dma_wait3A_100 = tpu.memref_slice %arg6[%dma_wait3A_99] : memref<4128xi32, #tpu.memory_space<vmem>> -> memref<448xi32, #tpu.memory_space<vmem>>
    %dma_wait3A_101 = arith.constant 0 : i32
    %dma_wait3A_102 = arith.constant 0 : i32
    %dma_wait3A_103 = tpu.memref_slice %arg5[%dma_wait3A_101, %dma_wait3A_102] : memref<94x128xf32, #tpu.memory_space<vmem_shared>> -> memref<94x128xf32, #tpu.memory_space<vmem_shared>>
    tpu.wait_indirect_dma semaphore(%arg10 : memref<!tpu.dma_semaphore, #tpu.memory_space<semaphore_mem>>) src(%dma_wait3A_103 : memref<94x128xf32, #tpu.memory_space<vmem_shared>>) dst(%dma_wait3A_98 : memref<448x128xf32, #tpu.memory_space<vmem>>)
    %dma_start3A_104 = arith.constant 0 : i32
    %dma_start3A_105 = arith.constant 0 : i32
    %dma_start3A_106 = tpu.memref_slice %arg8[%dma_start3A_104, %dma_start3A_105] : memref<448x128xf32, #tpu.memory_space<vmem>> -> memref<448x128xf32, #tpu.memory_space<vmem>>
    %dma_start3A_107 = arith.constant 0 : i32
    %dma_start3A_108 = tpu.memref_slice %arg4[%add3A_95, %dma_start3A_107] : memref<100000x128xf32, #tpu.memory_space<hbm>> -> memref<448x128xf32, #tpu.memory_space<hbm>>
    %dma_start3A_109 = arith.constant 0 : i32
    %dma_start3A_110 = tpu.memref_slice %arg4[%add3A_95, %dma_start3A_109] : memref<100000x128xf32, #tpu.memory_space<hbm>> -> memref<448x128xf32, #tpu.memory_space<hbm>>
    %dma_start3A_111 = arith.constant 0 : i32
    %dma_start3A_112 = arith.constant 0 : i32
    %dma_start3A_113 = tpu.memref_slice %arg8[%dma_start3A_111, %dma_start3A_112] : memref<448x128xf32, #tpu.memory_space<vmem>> -> memref<448x128xf32, #tpu.memory_space<vmem>>
    tpu.enqueue_dma source(%dma_start3A_113 : memref<448x128xf32, #tpu.memory_space<vmem>>) target(%dma_start3A_110 : memref<448x128xf32, #tpu.memory_space<hbm>>) target_semaphore(%arg12 : memref<!tpu.dma_semaphore, #tpu.memory_space<semaphore_mem>>)
    %add3A_114 = arith.constant 160 : i32
    %add3A_115 = arith.addi %select_n3A, %add3A_114 : i32
    %dma_wait3A_116 = arith.constant 0 : i32
    %dma_wait3A_117 = arith.constant 0 : i32
    %dma_wait3A_118 = tpu.memref_slice %arg8[%dma_wait3A_116, %dma_wait3A_117] : memref<448x128xf32, #tpu.memory_space<vmem>> -> memref<448x128xf32, #tpu.memory_space<vmem>>
    %dma_wait3A_119 = arith.constant 0 : i32
    %dma_wait3A_120 = tpu.memref_slice %arg4[%add3A_115, %dma_wait3A_119] : memref<100000x128xf32, #tpu.memory_space<hbm>> -> memref<448x128xf32, #tpu.memory_space<hbm>>
    %dma_wait3A_121 = arith.constant 0 : i32
    %dma_wait3A_122 = tpu.memref_slice %arg4[%add3A_115, %dma_wait3A_121] : memref<100000x128xf32, #tpu.memory_space<hbm>> -> memref<448x128xf32, #tpu.memory_space<hbm>>
    %dma_wait3A_123 = arith.constant 0 : i32
    %dma_wait3A_124 = arith.constant 0 : i32
    %dma_wait3A_125 = tpu.memref_slice %arg8[%dma_wait3A_123, %dma_wait3A_124] : memref<448x128xf32, #tpu.memory_space<vmem>> -> memref<448x128xf32, #tpu.memory_space<vmem>>
    tpu.wait_dma2 semaphore(%arg12 : memref<!tpu.dma_semaphore, #tpu.memory_space<semaphore_mem>>) src(%dma_wait3A_125 : memref<448x128xf32, #tpu.memory_space<vmem>>) dst(%dma_wait3A_122 : memref<448x128xf32, #tpu.memory_space<hbm>>)
    %add3A_126 = arith.constant 1056 : i32
    %add3A_127 = arith.addi %select_n3A, %add3A_126 : i32
    %dma_start3A_128 = arith.constant 0 : i32
    %dma_start3A_129 = arith.constant 0 : i32
    %dma_start3A_130 = tpu.memref_slice %arg8[%dma_start3A_128, %dma_start3A_129] : memref<448x128xf32, #tpu.memory_space<vmem>> -> memref<448x128xf32, #tpu.memory_space<vmem>>
    %dma_start3A_131 = arith.constant 1056 : i32
    %dma_start3A_132 = tpu.memref_slice %arg6[%dma_start3A_131] : memref<4128xi32, #tpu.memory_space<vmem>> -> memref<448xi32, #tpu.memory_space<vmem>>
    %dma_start3A_133 = arith.constant 0 : i32
    %dma_start3A_134 = arith.constant 0 : i32
    %dma_start3A_135 = tpu.memref_slice %arg5[%dma_start3A_133, %dma_start3A_134] : memref<94x128xf32, #tpu.memory_space<vmem_shared>> -> memref<94x128xf32, #tpu.memory_space<vmem_shared>>
    tpu.enqueue_indirect_dma source(%dma_start3A_135 : memref<94x128xf32, #tpu.memory_space<vmem_shared>>) target(%dma_start3A_130 : memref<448x128xf32, #tpu.memory_space<vmem>>) offsets(%dma_start3A_132 : memref<448xi32, #tpu.memory_space<vmem>>) semaphore(%arg10 : memref<!tpu.dma_semaphore, #tpu.memory_space<semaphore_mem>>)
    %add3A_136 = arith.constant 608 : i32
    %add3A_137 = arith.addi %select_n3A, %add3A_136 : i32
    %dma_wait3A_138 = arith.constant 0 : i32
    %dma_wait3A_139 = arith.constant 0 : i32
    %dma_wait3A_140 = tpu.memref_slice %arg7[%dma_wait3A_138, %dma_wait3A_139] : memref<448x128xf32, #tpu.memory_space<vmem>> -> memref<448x128xf32, #tpu.memory_space<vmem>>
    %dma_wait3A_141 = arith.constant 608 : i32
    %dma_wait3A_142 = tpu.memref_slice %arg6[%dma_wait3A_141] : memref<4128xi32, #tpu.memory_space<vmem>> -> memref<448xi32, #tpu.memory_space<vmem>>
    %dma_wait3A_143 = arith.constant 0 : i32
    %dma_wait3A_144 = arith.constant 0 : i32
    %dma_wait3A_145 = tpu.memref_slice %arg5[%dma_wait3A_143, %dma_wait3A_144] : memref<94x128xf32, #tpu.memory_space<vmem_shared>> -> memref<94x128xf32, #tpu.memory_space<vmem_shared>>
    tpu.wait_indirect_dma semaphore(%arg9 : memref<!tpu.dma_semaphore, #tpu.memory_space<semaphore_mem>>) src(%dma_wait3A_145 : memref<94x128xf32, #tpu.memory_space<vmem_shared>>) dst(%dma_wait3A_140 : memref<448x128xf32, #tpu.memory_space<vmem>>)
    %dma_start3A_146 = arith.constant 0 : i32
    %dma_start3A_147 = arith.constant 0 : i32
    %dma_start3A_148 = tpu.memref_slice %arg7[%dma_start3A_146, %dma_start3A_147] : memref<448x128xf32, #tpu.memory_space<vmem>> -> memref<448x128xf32, #tpu.memory_space<vmem>>
    %dma_start3A_149 = arith.constant 0 : i32
    %dma_start3A_150 = tpu.memref_slice %arg4[%add3A_137, %dma_start3A_149] : memref<100000x128xf32, #tpu.memory_space<hbm>> -> memref<448x128xf32, #tpu.memory_space<hbm>>
    %dma_start3A_151 = arith.constant 0 : i32
    %dma_start3A_152 = tpu.memref_slice %arg4[%add3A_137, %dma_start3A_151] : memref<100000x128xf32, #tpu.memory_space<hbm>> -> memref<448x128xf32, #tpu.memory_space<hbm>>
    %dma_start3A_153 = arith.constant 0 : i32
    %dma_start3A_154 = arith.constant 0 : i32
    %dma_start3A_155 = tpu.memref_slice %arg7[%dma_start3A_153, %dma_start3A_154] : memref<448x128xf32, #tpu.memory_space<vmem>> -> memref<448x128xf32, #tpu.memory_space<vmem>>
    tpu.enqueue_dma source(%dma_start3A_155 : memref<448x128xf32, #tpu.memory_space<vmem>>) target(%dma_start3A_152 : memref<448x128xf32, #tpu.memory_space<hbm>>) target_semaphore(%arg11 : memref<!tpu.dma_semaphore, #tpu.memory_space<semaphore_mem>>)
    %add3A_156 = arith.constant 608 : i32
    %add3A_157 = arith.addi %select_n3A, %add3A_156 : i32
    %dma_wait3A_158 = arith.constant 0 : i32
    %dma_wait3A_159 = arith.constant 0 : i32
    %dma_wait3A_160 = tpu.memref_slice %arg7[%dma_wait3A_158, %dma_wait3A_159] : memref<448x128xf32, #tpu.memory_space<vmem>> -> memref<448x128xf32, #tpu.memory_space<vmem>>
    %dma_wait3A_161 = arith.constant 0 : i32
    %dma_wait3A_162 = tpu.memref_slice %arg4[%add3A_157, %dma_wait3A_161] : memref<100000x128xf32, #tpu.memory_space<hbm>> -> memref<448x128xf32, #tpu.memory_space<hbm>>
    %dma_wait3A_163 = arith.constant 0 : i32
    %dma_wait3A_164 = tpu.memref_slice %arg4[%add3A_157, %dma_wait3A_163] : memref<100000x128xf32, #tpu.memory_space<hbm>> -> memref<448x128xf32, #tpu.memory_space<hbm>>
    %dma_wait3A_165 = arith.constant 0 : i32
    %dma_wait3A_166 = arith.constant 0 : i32
    %dma_wait3A_167 = tpu.memref_slice %arg7[%dma_wait3A_165, %dma_wait3A_166] : memref<448x128xf32, #tpu.memory_space<vmem>> -> memref<448x128xf32, #tpu.memory_space<vmem>>
    tpu.wait_dma2 semaphore(%arg11 : memref<!tpu.dma_semaphore, #tpu.memory_space<semaphore_mem>>) src(%dma_wait3A_167 : memref<448x128xf32, #tpu.memory_space<vmem>>) dst(%dma_wait3A_164 : memref<448x128xf32, #tpu.memory_space<hbm>>)
    %add3A_168 = arith.constant 1504 : i32
    %add3A_169 = arith.addi %select_n3A, %add3A_168 : i32
    %dma_start3A_170 = arith.constant 0 : i32
    %dma_start3A_171 = arith.constant 0 : i32
    %dma_start3A_172 = tpu.memref_slice %arg7[%dma_start3A_170, %dma_start3A_171] : memref<448x128xf32, #tpu.memory_space<vmem>> -> memref<448x128xf32, #tpu.memory_space<vmem>>
    %dma_start3A_173 = arith.constant 1504 : i32
    %dma_start3A_174 = tpu.memref_slice %arg6[%dma_start3A_173] : memref<4128xi32, #tpu.memory_space<vmem>> -> memref<448xi32, #tpu.memory_space<vmem>>
    %dma_start3A_175 = arith.constant 0 : i32
    %dma_start3A_176 = arith.constant 0 : i32
    %dma_start3A_177 = tpu.memref_slice %arg5[%dma_start3A_175, %dma_start3A_176] : memref<94x128xf32, #tpu.memory_space<vmem_shared>> -> memref<94x128xf32, #tpu.memory_space<vmem_shared>>
    tpu.enqueue_indirect_dma source(%dma_start3A_177 : memref<94x128xf32, #tpu.memory_space<vmem_shared>>) target(%dma_start3A_172 : memref<448x128xf32, #tpu.memory_space<vmem>>) offsets(%dma_start3A_174 : memref<448xi32, #tpu.memory_space<vmem>>) semaphore(%arg9 : memref<!tpu.dma_semaphore, #tpu.memory_space<semaphore_mem>>)
    %add3A_178 = arith.constant 1056 : i32
    %add3A_179 = arith.addi %select_n3A, %add3A_178 : i32
    %dma_wait3A_180 = arith.constant 0 : i32
    %dma_wait3A_181 = arith.constant 0 : i32
    %dma_wait3A_182 = tpu.memref_slice %arg8[%dma_wait3A_180, %dma_wait3A_181] : memref<448x128xf32, #tpu.memory_space<vmem>> -> memref<448x128xf32, #tpu.memory_space<vmem>>
    %dma_wait3A_183 = arith.constant 1056 : i32
    %dma_wait3A_184 = tpu.memref_slice %arg6[%dma_wait3A_183] : memref<4128xi32, #tpu.memory_space<vmem>> -> memref<448xi32, #tpu.memory_space<vmem>>
    %dma_wait3A_185 = arith.constant 0 : i32
    %dma_wait3A_186 = arith.constant 0 : i32
    %dma_wait3A_187 = tpu.memref_slice %arg5[%dma_wait3A_185, %dma_wait3A_186] : memref<94x128xf32, #tpu.memory_space<vmem_shared>> -> memref<94x128xf32, #tpu.memory_space<vmem_shared>>
    tpu.wait_indirect_dma semaphore(%arg10 : memref<!tpu.dma_semaphore, #tpu.memory_space<semaphore_mem>>) src(%dma_wait3A_187 : memref<94x128xf32, #tpu.memory_space<vmem_shared>>) dst(%dma_wait3A_182 : memref<448x128xf32, #tpu.memory_space<vmem>>)
    %dma_start3A_188 = arith.constant 0 : i32
    %dma_start3A_189 = arith.constant 0 : i32
    %dma_start3A_190 = tpu.memref_slice %arg8[%dma_start3A_188, %dma_start3A_189] : memref<448x128xf32, #tpu.memory_space<vmem>> -> memref<448x128xf32, #tpu.memory_space<vmem>>
    %dma_start3A_191 = arith.constant 0 : i32
    %dma_start3A_192 = tpu.memref_slice %arg4[%add3A_179, %dma_start3A_191] : memref<100000x128xf32, #tpu.memory_space<hbm>> -> memref<448x128xf32, #tpu.memory_space<hbm>>
    %dma_start3A_193 = arith.constant 0 : i32
    %dma_start3A_194 = tpu.memref_slice %arg4[%add3A_179, %dma_start3A_193] : memref<100000x128xf32, #tpu.memory_space<hbm>> -> memref<448x128xf32, #tpu.memory_space<hbm>>
    %dma_start3A_195 = arith.constant 0 : i32
    %dma_start3A_196 = arith.constant 0 : i32
    %dma_start3A_197 = tpu.memref_slice %arg8[%dma_start3A_195, %dma_start3A_196] : memref<448x128xf32, #tpu.memory_space<vmem>> -> memref<448x128xf32, #tpu.memory_space<vmem>>
    tpu.enqueue_dma source(%dma_start3A_197 : memref<448x128xf32, #tpu.memory_space<vmem>>) target(%dma_start3A_194 : memref<448x128xf32, #tpu.memory_space<hbm>>) target_semaphore(%arg12 : memref<!tpu.dma_semaphore, #tpu.memory_space<semaphore_mem>>)
    %add3A_198 = arith.constant 1056 : i32
    %add3A_199 = arith.addi %select_n3A, %add3A_198 : i32
    %dma_wait3A_200 = arith.constant 0 : i32
    %dma_wait3A_201 = arith.constant 0 : i32
    %dma_wait3A_202 = tpu.memref_slice %arg8[%dma_wait3A_200, %dma_wait3A_201] : memref<448x128xf32, #tpu.memory_space<vmem>> -> memref<448x128xf32, #tpu.memory_space<vmem>>
    %dma_wait3A_203 = arith.constant 0 : i32
    %dma_wait3A_204 = tpu.memref_slice %arg4[%add3A_199, %dma_wait3A_203] : memref<100000x128xf32, #tpu.memory_space<hbm>> -> memref<448x128xf32, #tpu.memory_space<hbm>>
    %dma_wait3A_205 = arith.constant 0 : i32
    %dma_wait3A_206 = tpu.memref_slice %arg4[%add3A_199, %dma_wait3A_205] : memref<100000x128xf32, #tpu.memory_space<hbm>> -> memref<448x128xf32, #tpu.memory_space<hbm>>
    %dma_wait3A_207 = arith.constant 0 : i32
    %dma_wait3A_208 = arith.constant 0 : i32
    %dma_wait3A_209 = tpu.memref_slice %arg8[%dma_wait3A_207, %dma_wait3A_208] : memref<448x128xf32, #tpu.memory_space<vmem>> -> memref<448x128xf32, #tpu.memory_space<vmem>>
    tpu.wait_dma2 semaphore(%arg12 : memref<!tpu.dma_semaphore, #tpu.memory_space<semaphore_mem>>) src(%dma_wait3A_209 : memref<448x128xf32, #tpu.memory_space<vmem>>) dst(%dma_wait3A_206 : memref<448x128xf32, #tpu.memory_space<hbm>>)
    %convert_element_type3A_210 = arith.extui %and3A_8 : i1 to i32
    %cond3A_211 = arith.constant 0 : i32
    %cond3A_212 = arith.cmpi ne, %convert_element_type3A_210, %cond3A_211 : i32
    scf.if %cond3A_212 {
      %add3A_305 = arith.constant 1952 : i32
      %add3A_306 = arith.addi %select_n3A, %add3A_305 : i32
      %dma_start3A_307 = arith.constant 0 : i32
      %dma_start3A_308 = arith.constant 0 : i32
      %dma_start3A_309 = tpu.memref_slice %arg8[%dma_start3A_307, %dma_start3A_308] : memref<448x128xf32, #tpu.memory_space<vmem>> -> memref<168x128xf32, #tpu.memory_space<vmem>>
      %dma_start3A_310 = arith.constant 1952 : i32
      %dma_start3A_311 = tpu.memref_slice %arg6[%dma_start3A_310] : memref<4128xi32, #tpu.memory_space<vmem>> -> memref<168xi32, #tpu.memory_space<vmem>>
      %dma_start3A_312 = arith.constant 0 : i32
      %dma_start3A_313 = arith.constant 0 : i32
      %dma_start3A_314 = tpu.memref_slice %arg5[%dma_start3A_312, %dma_start3A_313] : memref<94x128xf32, #tpu.memory_space<vmem_shared>> -> memref<94x128xf32, #tpu.memory_space<vmem_shared>>
      tpu.enqueue_indirect_dma source(%dma_start3A_314 : memref<94x128xf32, #tpu.memory_space<vmem_shared>>) target(%dma_start3A_309 : memref<168x128xf32, #tpu.memory_space<vmem>>) offsets(%dma_start3A_311 : memref<168xi32, #tpu.memory_space<vmem>>) semaphore(%arg10 : memref<!tpu.dma_semaphore, #tpu.memory_space<semaphore_mem>>)
    } else {
    }
    %convert_element_type3A_213 = arith.extui %and3A : i1 to i32
    %cond3A_214 = arith.constant 0 : i32
    %cond3A_215 = arith.cmpi ne, %convert_element_type3A_213, %cond3A_214 : i32
    scf.if %cond3A_215 {
      %add3A_305 = arith.constant 1952 : i32
      %add3A_306 = arith.addi %select_n3A, %add3A_305 : i32
      %dma_start3A_307 = arith.constant 0 : i32
      %dma_start3A_308 = arith.constant 0 : i32
      %dma_start3A_309 = tpu.memref_slice %arg8[%dma_start3A_307, %dma_start3A_308] : memref<448x128xf32, #tpu.memory_space<vmem>> -> memref<200x128xf32, #tpu.memory_space<vmem>>
      %dma_start3A_310 = arith.constant 1952 : i32
      %dma_start3A_311 = tpu.memref_slice %arg6[%dma_start3A_310] : memref<4128xi32, #tpu.memory_space<vmem>> -> memref<200xi32, #tpu.memory_space<vmem>>
      %dma_start3A_312 = arith.constant 0 : i32
      %dma_start3A_313 = arith.constant 0 : i32
      %dma_start3A_314 = tpu.memref_slice %arg5[%dma_start3A_312, %dma_start3A_313] : memref<94x128xf32, #tpu.memory_space<vmem_shared>> -> memref<94x128xf32, #tpu.memory_space<vmem_shared>>
      tpu.enqueue_indirect_dma source(%dma_start3A_314 : memref<94x128xf32, #tpu.memory_space<vmem_shared>>) target(%dma_start3A_309 : memref<200x128xf32, #tpu.memory_space<vmem>>) offsets(%dma_start3A_311 : memref<200xi32, #tpu.memory_space<vmem>>) semaphore(%arg10 : memref<!tpu.dma_semaphore, #tpu.memory_space<semaphore_mem>>)
    } else {
    }
    %convert_element_type3A_216 = arith.extui %eq3A_0 : i1 to i32
    %cond3A_217 = arith.constant 0 : i32
    %cond3A_218 = arith.cmpi ne, %convert_element_type3A_216, %cond3A_217 : i32
    scf.if %cond3A_218 {
      %add3A_305 = arith.constant 1952 : i32
      %add3A_306 = arith.addi %select_n3A, %add3A_305 : i32
      %dma_start3A_307 = arith.constant 0 : i32
      %dma_start3A_308 = arith.constant 0 : i32
      %dma_start3A_309 = tpu.memref_slice %arg8[%dma_start3A_307, %dma_start3A_308] : memref<448x128xf32, #tpu.memory_space<vmem>> -> memref<448x128xf32, #tpu.memory_space<vmem>>
      %dma_start3A_310 = arith.constant 1952 : i32
      %dma_start3A_311 = tpu.memref_slice %arg6[%dma_start3A_310] : memref<4128xi32, #tpu.memory_space<vmem>> -> memref<448xi32, #tpu.memory_space<vmem>>
      %dma_start3A_312 = arith.constant 0 : i32
      %dma_start3A_313 = arith.constant 0 : i32
      %dma_start3A_314 = tpu.memref_slice %arg5[%dma_start3A_312, %dma_start3A_313] : memref<94x128xf32, #tpu.memory_space<vmem_shared>> -> memref<94x128xf32, #tpu.memory_space<vmem_shared>>
      tpu.enqueue_indirect_dma source(%dma_start3A_314 : memref<94x128xf32, #tpu.memory_space<vmem_shared>>) target(%dma_start3A_309 : memref<448x128xf32, #tpu.memory_space<vmem>>) offsets(%dma_start3A_311 : memref<448xi32, #tpu.memory_space<vmem>>) semaphore(%arg10 : memref<!tpu.dma_semaphore, #tpu.memory_space<semaphore_mem>>)
    } else {
    }
    %add3A_219 = arith.constant 1504 : i32
    %add3A_220 = arith.addi %select_n3A, %add3A_219 : i32
    %dma_wait3A_221 = arith.constant 0 : i32
    %dma_wait3A_222 = arith.constant 0 : i32
    %dma_wait3A_223 = tpu.memref_slice %arg7[%dma_wait3A_221, %dma_wait3A_222] : memref<448x128xf32, #tpu.memory_space<vmem>> -> memref<448x128xf32, #tpu.memory_space<vmem>>
    %dma_wait3A_224 = arith.constant 1504 : i32
    %dma_wait3A_225 = tpu.memref_slice %arg6[%dma_wait3A_224] : memref<4128xi32, #tpu.memory_space<vmem>> -> memref<448xi32, #tpu.memory_space<vmem>>
    %dma_wait3A_226 = arith.constant 0 : i32
    %dma_wait3A_227 = arith.constant 0 : i32
    %dma_wait3A_228 = tpu.memref_slice %arg5[%dma_wait3A_226, %dma_wait3A_227] : memref<94x128xf32, #tpu.memory_space<vmem_shared>> -> memref<94x128xf32, #tpu.memory_space<vmem_shared>>
    tpu.wait_indirect_dma semaphore(%arg9 : memref<!tpu.dma_semaphore, #tpu.memory_space<semaphore_mem>>) src(%dma_wait3A_228 : memref<94x128xf32, #tpu.memory_space<vmem_shared>>) dst(%dma_wait3A_223 : memref<448x128xf32, #tpu.memory_space<vmem>>)
    %dma_start3A_229 = arith.constant 0 : i32
    %dma_start3A_230 = arith.constant 0 : i32
    %dma_start3A_231 = tpu.memref_slice %arg7[%dma_start3A_229, %dma_start3A_230] : memref<448x128xf32, #tpu.memory_space<vmem>> -> memref<448x128xf32, #tpu.memory_space<vmem>>
    %dma_start3A_232 = arith.constant 0 : i32
    %dma_start3A_233 = tpu.memref_slice %arg4[%add3A_220, %dma_start3A_232] : memref<100000x128xf32, #tpu.memory_space<hbm>> -> memref<448x128xf32, #tpu.memory_space<hbm>>
    %dma_start3A_234 = arith.constant 0 : i32
    %dma_start3A_235 = tpu.memref_slice %arg4[%add3A_220, %dma_start3A_234] : memref<100000x128xf32, #tpu.memory_space<hbm>> -> memref<448x128xf32, #tpu.memory_space<hbm>>
    %dma_start3A_236 = arith.constant 0 : i32
    %dma_start3A_237 = arith.constant 0 : i32
    %dma_start3A_238 = tpu.memref_slice %arg7[%dma_start3A_236, %dma_start3A_237] : memref<448x128xf32, #tpu.memory_space<vmem>> -> memref<448x128xf32, #tpu.memory_space<vmem>>
    tpu.enqueue_dma source(%dma_start3A_238 : memref<448x128xf32, #tpu.memory_space<vmem>>) target(%dma_start3A_235 : memref<448x128xf32, #tpu.memory_space<hbm>>) target_semaphore(%arg11 : memref<!tpu.dma_semaphore, #tpu.memory_space<semaphore_mem>>)
    %add3A_239 = arith.constant 1504 : i32
    %add3A_240 = arith.addi %select_n3A, %add3A_239 : i32
    %dma_wait3A_241 = arith.constant 0 : i32
    %dma_wait3A_242 = arith.constant 0 : i32
    %dma_wait3A_243 = tpu.memref_slice %arg7[%dma_wait3A_241, %dma_wait3A_242] : memref<448x128xf32, #tpu.memory_space<vmem>> -> memref<448x128xf32, #tpu.memory_space<vmem>>
    %dma_wait3A_244 = arith.constant 0 : i32
    %dma_wait3A_245 = tpu.memref_slice %arg4[%add3A_240, %dma_wait3A_244] : memref<100000x128xf32, #tpu.memory_space<hbm>> -> memref<448x128xf32, #tpu.memory_space<hbm>>
    %dma_wait3A_246 = arith.constant 0 : i32
    %dma_wait3A_247 = tpu.memref_slice %arg4[%add3A_240, %dma_wait3A_246] : memref<100000x128xf32, #tpu.memory_space<hbm>> -> memref<448x128xf32, #tpu.memory_space<hbm>>
    %dma_wait3A_248 = arith.constant 0 : i32
    %dma_wait3A_249 = arith.constant 0 : i32
    %dma_wait3A_250 = tpu.memref_slice %arg7[%dma_wait3A_248, %dma_wait3A_249] : memref<448x128xf32, #tpu.memory_space<vmem>> -> memref<448x128xf32, #tpu.memory_space<vmem>>
    tpu.wait_dma2 semaphore(%arg11 : memref<!tpu.dma_semaphore, #tpu.memory_space<semaphore_mem>>) src(%dma_wait3A_250 : memref<448x128xf32, #tpu.memory_space<vmem>>) dst(%dma_wait3A_247 : memref<448x128xf32, #tpu.memory_space<hbm>>)
    %convert_element_type3A_251 = arith.extui %eq3A_0 : i1 to i32
    %cond3A_252 = arith.constant 0 : i32
    %cond3A_253 = arith.cmpi ne, %convert_element_type3A_251, %cond3A_252 : i32
    scf.if %cond3A_253 {
      %add3A_305 = arith.constant 2400 : i32
      %add3A_306 = arith.addi %select_n3A, %add3A_305 : i32
      %dma_start3A_307 = arith.constant 0 : i32
      %dma_start3A_308 = arith.constant 0 : i32
      %dma_start3A_309 = tpu.memref_slice %arg7[%dma_start3A_307, %dma_start3A_308] : memref<448x128xf32, #tpu.memory_space<vmem>> -> memref<448x128xf32, #tpu.memory_space<vmem>>
      %dma_start3A_310 = arith.constant 2400 : i32
      %dma_start3A_311 = tpu.memref_slice %arg6[%dma_start3A_310] : memref<4128xi32, #tpu.memory_space<vmem>> -> memref<448xi32, #tpu.memory_space<vmem>>
      %dma_start3A_312 = arith.constant 0 : i32
      %dma_start3A_313 = arith.constant 0 : i32
      %dma_start3A_314 = tpu.memref_slice %arg5[%dma_start3A_312, %dma_start3A_313] : memref<94x128xf32, #tpu.memory_space<vmem_shared>> -> memref<94x128xf32, #tpu.memory_space<vmem_shared>>
      tpu.enqueue_indirect_dma source(%dma_start3A_314 : memref<94x128xf32, #tpu.memory_space<vmem_shared>>) target(%dma_start3A_309 : memref<448x128xf32, #tpu.memory_space<vmem>>) offsets(%dma_start3A_311 : memref<448xi32, #tpu.memory_space<vmem>>) semaphore(%arg9 : memref<!tpu.dma_semaphore, #tpu.memory_space<semaphore_mem>>)
    } else {
    }
    %convert_element_type3A_254 = arith.extui %and3A_8 : i1 to i32
    %cond3A_255 = arith.constant 0 : i32
    %cond3A_256 = arith.cmpi ne, %convert_element_type3A_254, %cond3A_255 : i32
    scf.if %cond3A_256 {
      %add3A_305 = arith.constant 1952 : i32
      %add3A_306 = arith.addi %select_n3A, %add3A_305 : i32
      %dma_wait3A_307 = arith.constant 0 : i32
      %dma_wait3A_308 = arith.constant 0 : i32
      %dma_wait3A_309 = tpu.memref_slice %arg8[%dma_wait3A_307, %dma_wait3A_308] : memref<448x128xf32, #tpu.memory_space<vmem>> -> memref<168x128xf32, #tpu.memory_space<vmem>>
      %dma_wait3A_310 = arith.constant 1952 : i32
      %dma_wait3A_311 = tpu.memref_slice %arg6[%dma_wait3A_310] : memref<4128xi32, #tpu.memory_space<vmem>> -> memref<168xi32, #tpu.memory_space<vmem>>
      %dma_wait3A_312 = arith.constant 0 : i32
      %dma_wait3A_313 = arith.constant 0 : i32
      %dma_wait3A_314 = tpu.memref_slice %arg5[%dma_wait3A_312, %dma_wait3A_313] : memref<94x128xf32, #tpu.memory_space<vmem_shared>> -> memref<94x128xf32, #tpu.memory_space<vmem_shared>>
      tpu.wait_indirect_dma semaphore(%arg10 : memref<!tpu.dma_semaphore, #tpu.memory_space<semaphore_mem>>) src(%dma_wait3A_314 : memref<94x128xf32, #tpu.memory_space<vmem_shared>>) dst(%dma_wait3A_309 : memref<168x128xf32, #tpu.memory_space<vmem>>)
      %dma_start3A_315 = arith.constant 0 : i32
      %dma_start3A_316 = arith.constant 0 : i32
      %dma_start3A_317 = tpu.memref_slice %arg8[%dma_start3A_315, %dma_start3A_316] : memref<448x128xf32, #tpu.memory_space<vmem>> -> memref<168x128xf32, #tpu.memory_space<vmem>>
      %dma_start3A_318 = arith.constant 0 : i32
      %dma_start3A_319 = tpu.memref_slice %arg4[%add3A_306, %dma_start3A_318] : memref<100000x128xf32, #tpu.memory_space<hbm>> -> memref<168x128xf32, #tpu.memory_space<hbm>>
      %dma_start3A_320 = arith.constant 0 : i32
      %dma_start3A_321 = tpu.memref_slice %arg4[%add3A_306, %dma_start3A_320] : memref<100000x128xf32, #tpu.memory_space<hbm>> -> memref<168x128xf32, #tpu.memory_space<hbm>>
      %dma_start3A_322 = arith.constant 0 : i32
      %dma_start3A_323 = arith.constant 0 : i32
      %dma_start3A_324 = tpu.memref_slice %arg8[%dma_start3A_322, %dma_start3A_323] : memref<448x128xf32, #tpu.memory_space<vmem>> -> memref<168x128xf32, #tpu.memory_space<vmem>>
      tpu.enqueue_dma source(%dma_start3A_324 : memref<168x128xf32, #tpu.memory_space<vmem>>) target(%dma_start3A_321 : memref<168x128xf32, #tpu.memory_space<hbm>>) target_semaphore(%arg12 : memref<!tpu.dma_semaphore, #tpu.memory_space<semaphore_mem>>)
    } else {
    }
    %convert_element_type3A_257 = arith.extui %and3A : i1 to i32
    %cond3A_258 = arith.constant 0 : i32
    %cond3A_259 = arith.cmpi ne, %convert_element_type3A_257, %cond3A_258 : i32
    scf.if %cond3A_259 {
      %add3A_305 = arith.constant 1952 : i32
      %add3A_306 = arith.addi %select_n3A, %add3A_305 : i32
      %dma_wait3A_307 = arith.constant 0 : i32
      %dma_wait3A_308 = arith.constant 0 : i32
      %dma_wait3A_309 = tpu.memref_slice %arg8[%dma_wait3A_307, %dma_wait3A_308] : memref<448x128xf32, #tpu.memory_space<vmem>> -> memref<200x128xf32, #tpu.memory_space<vmem>>
      %dma_wait3A_310 = arith.constant 1952 : i32
      %dma_wait3A_311 = tpu.memref_slice %arg6[%dma_wait3A_310] : memref<4128xi32, #tpu.memory_space<vmem>> -> memref<200xi32, #tpu.memory_space<vmem>>
      %dma_wait3A_312 = arith.constant 0 : i32
      %dma_wait3A_313 = arith.constant 0 : i32
      %dma_wait3A_314 = tpu.memref_slice %arg5[%dma_wait3A_312, %dma_wait3A_313] : memref<94x128xf32, #tpu.memory_space<vmem_shared>> -> memref<94x128xf32, #tpu.memory_space<vmem_shared>>
      tpu.wait_indirect_dma semaphore(%arg10 : memref<!tpu.dma_semaphore, #tpu.memory_space<semaphore_mem>>) src(%dma_wait3A_314 : memref<94x128xf32, #tpu.memory_space<vmem_shared>>) dst(%dma_wait3A_309 : memref<200x128xf32, #tpu.memory_space<vmem>>)
      %dma_start3A_315 = arith.constant 0 : i32
      %dma_start3A_316 = arith.constant 0 : i32
      %dma_start3A_317 = tpu.memref_slice %arg8[%dma_start3A_315, %dma_start3A_316] : memref<448x128xf32, #tpu.memory_space<vmem>> -> memref<200x128xf32, #tpu.memory_space<vmem>>
      %dma_start3A_318 = arith.constant 0 : i32
      %dma_start3A_319 = tpu.memref_slice %arg4[%add3A_306, %dma_start3A_318] : memref<100000x128xf32, #tpu.memory_space<hbm>> -> memref<200x128xf32, #tpu.memory_space<hbm>>
      %dma_start3A_320 = arith.constant 0 : i32
      %dma_start3A_321 = tpu.memref_slice %arg4[%add3A_306, %dma_start3A_320] : memref<100000x128xf32, #tpu.memory_space<hbm>> -> memref<200x128xf32, #tpu.memory_space<hbm>>
      %dma_start3A_322 = arith.constant 0 : i32
      %dma_start3A_323 = arith.constant 0 : i32
      %dma_start3A_324 = tpu.memref_slice %arg8[%dma_start3A_322, %dma_start3A_323] : memref<448x128xf32, #tpu.memory_space<vmem>> -> memref<200x128xf32, #tpu.memory_space<vmem>>
      tpu.enqueue_dma source(%dma_start3A_324 : memref<200x128xf32, #tpu.memory_space<vmem>>) target(%dma_start3A_321 : memref<200x128xf32, #tpu.memory_space<hbm>>) target_semaphore(%arg12 : memref<!tpu.dma_semaphore, #tpu.memory_space<semaphore_mem>>)
    } else {
    }
    %convert_element_type3A_260 = arith.extui %eq3A_0 : i1 to i32
    %cond3A_261 = arith.constant 0 : i32
    %cond3A_262 = arith.cmpi ne, %convert_element_type3A_260, %cond3A_261 : i32
    scf.if %cond3A_262 {
      %add3A_305 = arith.constant 1952 : i32
      %add3A_306 = arith.addi %select_n3A, %add3A_305 : i32
      %dma_wait3A_307 = arith.constant 0 : i32
      %dma_wait3A_308 = arith.constant 0 : i32
      %dma_wait3A_309 = tpu.memref_slice %arg8[%dma_wait3A_307, %dma_wait3A_308] : memref<448x128xf32, #tpu.memory_space<vmem>> -> memref<448x128xf32, #tpu.memory_space<vmem>>
      %dma_wait3A_310 = arith.constant 1952 : i32
      %dma_wait3A_311 = tpu.memref_slice %arg6[%dma_wait3A_310] : memref<4128xi32, #tpu.memory_space<vmem>> -> memref<448xi32, #tpu.memory_space<vmem>>
      %dma_wait3A_312 = arith.constant 0 : i32
      %dma_wait3A_313 = arith.constant 0 : i32
      %dma_wait3A_314 = tpu.memref_slice %arg5[%dma_wait3A_312, %dma_wait3A_313] : memref<94x128xf32, #tpu.memory_space<vmem_shared>> -> memref<94x128xf32, #tpu.memory_space<vmem_shared>>
      tpu.wait_indirect_dma semaphore(%arg10 : memref<!tpu.dma_semaphore, #tpu.memory_space<semaphore_mem>>) src(%dma_wait3A_314 : memref<94x128xf32, #tpu.memory_space<vmem_shared>>) dst(%dma_wait3A_309 : memref<448x128xf32, #tpu.memory_space<vmem>>)
      %dma_start3A_315 = arith.constant 0 : i32
      %dma_start3A_316 = arith.constant 0 : i32
      %dma_start3A_317 = tpu.memref_slice %arg8[%dma_start3A_315, %dma_start3A_316] : memref<448x128xf32, #tpu.memory_space<vmem>> -> memref<448x128xf32, #tpu.memory_space<vmem>>
      %dma_start3A_318 = arith.constant 0 : i32
      %dma_start3A_319 = tpu.memref_slice %arg4[%add3A_306, %dma_start3A_318] : memref<100000x128xf32, #tpu.memory_space<hbm>> -> memref<448x128xf32, #tpu.memory_space<hbm>>
      %dma_start3A_320 = arith.constant 0 : i32
      %dma_start3A_321 = tpu.memref_slice %arg4[%add3A_306, %dma_start3A_320] : memref<100000x128xf32, #tpu.memory_space<hbm>> -> memref<448x128xf32, #tpu.memory_space<hbm>>
      %dma_start3A_322 = arith.constant 0 : i32
      %dma_start3A_323 = arith.constant 0 : i32
      %dma_start3A_324 = tpu.memref_slice %arg8[%dma_start3A_322, %dma_start3A_323] : memref<448x128xf32, #tpu.memory_space<vmem>> -> memref<448x128xf32, #tpu.memory_space<vmem>>
      tpu.enqueue_dma source(%dma_start3A_324 : memref<448x128xf32, #tpu.memory_space<vmem>>) target(%dma_start3A_321 : memref<448x128xf32, #tpu.memory_space<hbm>>) target_semaphore(%arg12 : memref<!tpu.dma_semaphore, #tpu.memory_space<semaphore_mem>>)
    } else {
    }
    %convert_element_type3A_263 = arith.extui %and3A_8 : i1 to i32
    %cond3A_264 = arith.constant 0 : i32
    %cond3A_265 = arith.cmpi ne, %convert_element_type3A_263, %cond3A_264 : i32
    scf.if %cond3A_265 {
      %add3A_305 = arith.constant 1952 : i32
      %add3A_306 = arith.addi %select_n3A, %add3A_305 : i32
      %dma_wait3A_307 = arith.constant 0 : i32
      %dma_wait3A_308 = arith.constant 0 : i32
      %dma_wait3A_309 = tpu.memref_slice %arg8[%dma_wait3A_307, %dma_wait3A_308] : memref<448x128xf32, #tpu.memory_space<vmem>> -> memref<168x128xf32, #tpu.memory_space<vmem>>
      %dma_wait3A_310 = arith.constant 0 : i32
      %dma_wait3A_311 = tpu.memref_slice %arg4[%add3A_306, %dma_wait3A_310] : memref<100000x128xf32, #tpu.memory_space<hbm>> -> memref<168x128xf32, #tpu.memory_space<hbm>>
      %dma_wait3A_312 = arith.constant 0 : i32
      %dma_wait3A_313 = tpu.memref_slice %arg4[%add3A_306, %dma_wait3A_312] : memref<100000x128xf32, #tpu.memory_space<hbm>> -> memref<168x128xf32, #tpu.memory_space<hbm>>
      %dma_wait3A_314 = arith.constant 0 : i32
      %dma_wait3A_315 = arith.constant 0 : i32
      %dma_wait3A_316 = tpu.memref_slice %arg8[%dma_wait3A_314, %dma_wait3A_315] : memref<448x128xf32, #tpu.memory_space<vmem>> -> memref<168x128xf32, #tpu.memory_space<vmem>>
      tpu.wait_dma2 semaphore(%arg12 : memref<!tpu.dma_semaphore, #tpu.memory_space<semaphore_mem>>) src(%dma_wait3A_316 : memref<168x128xf32, #tpu.memory_space<vmem>>) dst(%dma_wait3A_313 : memref<168x128xf32, #tpu.memory_space<hbm>>)
    } else {
    }
    %convert_element_type3A_266 = arith.extui %and3A : i1 to i32
    %cond3A_267 = arith.constant 0 : i32
    %cond3A_268 = arith.cmpi ne, %convert_element_type3A_266, %cond3A_267 : i32
    scf.if %cond3A_268 {
      %add3A_305 = arith.constant 1952 : i32
      %add3A_306 = arith.addi %select_n3A, %add3A_305 : i32
      %dma_wait3A_307 = arith.constant 0 : i32
      %dma_wait3A_308 = arith.constant 0 : i32
      %dma_wait3A_309 = tpu.memref_slice %arg8[%dma_wait3A_307, %dma_wait3A_308] : memref<448x128xf32, #tpu.memory_space<vmem>> -> memref<200x128xf32, #tpu.memory_space<vmem>>
      %dma_wait3A_310 = arith.constant 0 : i32
      %dma_wait3A_311 = tpu.memref_slice %arg4[%add3A_306, %dma_wait3A_310] : memref<100000x128xf32, #tpu.memory_space<hbm>> -> memref<200x128xf32, #tpu.memory_space<hbm>>
      %dma_wait3A_312 = arith.constant 0 : i32
      %dma_wait3A_313 = tpu.memref_slice %arg4[%add3A_306, %dma_wait3A_312] : memref<100000x128xf32, #tpu.memory_space<hbm>> -> memref<200x128xf32, #tpu.memory_space<hbm>>
      %dma_wait3A_314 = arith.constant 0 : i32
      %dma_wait3A_315 = arith.constant 0 : i32
      %dma_wait3A_316 = tpu.memref_slice %arg8[%dma_wait3A_314, %dma_wait3A_315] : memref<448x128xf32, #tpu.memory_space<vmem>> -> memref<200x128xf32, #tpu.memory_space<vmem>>
      tpu.wait_dma2 semaphore(%arg12 : memref<!tpu.dma_semaphore, #tpu.memory_space<semaphore_mem>>) src(%dma_wait3A_316 : memref<200x128xf32, #tpu.memory_space<vmem>>) dst(%dma_wait3A_313 : memref<200x128xf32, #tpu.memory_space<hbm>>)
    } else {
    }
    %convert_element_type3A_269 = arith.extui %eq3A_0 : i1 to i32
    %cond3A_270 = arith.constant 0 : i32
    %cond3A_271 = arith.cmpi ne, %convert_element_type3A_269, %cond3A_270 : i32
    scf.if %cond3A_271 {
      %add3A_305 = arith.constant 1952 : i32
      %add3A_306 = arith.addi %select_n3A, %add3A_305 : i32
      %dma_wait3A_307 = arith.constant 0 : i32
      %dma_wait3A_308 = arith.constant 0 : i32
      %dma_wait3A_309 = tpu.memref_slice %arg8[%dma_wait3A_307, %dma_wait3A_308] : memref<448x128xf32, #tpu.memory_space<vmem>> -> memref<448x128xf32, #tpu.memory_space<vmem>>
      %dma_wait3A_310 = arith.constant 0 : i32
      %dma_wait3A_311 = tpu.memref_slice %arg4[%add3A_306, %dma_wait3A_310] : memref<100000x128xf32, #tpu.memory_space<hbm>> -> memref<448x128xf32, #tpu.memory_space<hbm>>
      %dma_wait3A_312 = arith.constant 0 : i32
      %dma_wait3A_313 = tpu.memref_slice %arg4[%add3A_306, %dma_wait3A_312] : memref<100000x128xf32, #tpu.memory_space<hbm>> -> memref<448x128xf32, #tpu.memory_space<hbm>>
      %dma_wait3A_314 = arith.constant 0 : i32
      %dma_wait3A_315 = arith.constant 0 : i32
      %dma_wait3A_316 = tpu.memref_slice %arg8[%dma_wait3A_314, %dma_wait3A_315] : memref<448x128xf32, #tpu.memory_space<vmem>> -> memref<448x128xf32, #tpu.memory_space<vmem>>
      tpu.wait_dma2 semaphore(%arg12 : memref<!tpu.dma_semaphore, #tpu.memory_space<semaphore_mem>>) src(%dma_wait3A_316 : memref<448x128xf32, #tpu.memory_space<vmem>>) dst(%dma_wait3A_313 : memref<448x128xf32, #tpu.memory_space<hbm>>)
    } else {
    }
    %convert_element_type3A_272 = arith.extui %eq3A_0 : i1 to i32
    %cond3A_273 = arith.constant 0 : i32
    %cond3A_274 = arith.cmpi ne, %convert_element_type3A_272, %cond3A_273 : i32
    scf.if %cond3A_274 {
      %add3A_305 = arith.constant 2848 : i32
      %add3A_306 = arith.addi %select_n3A, %add3A_305 : i32
      %dma_start3A_307 = arith.constant 0 : i32
      %dma_start3A_308 = arith.constant 0 : i32
      %dma_start3A_309 = tpu.memref_slice %arg8[%dma_start3A_307, %dma_start3A_308] : memref<448x128xf32, #tpu.memory_space<vmem>> -> memref<448x128xf32, #tpu.memory_space<vmem>>
      %dma_start3A_310 = arith.constant 2848 : i32
      %dma_start3A_311 = tpu.memref_slice %arg6[%dma_start3A_310] : memref<4128xi32, #tpu.memory_space<vmem>> -> memref<448xi32, #tpu.memory_space<vmem>>
      %dma_start3A_312 = arith.constant 0 : i32
      %dma_start3A_313 = arith.constant 0 : i32
      %dma_start3A_314 = tpu.memref_slice %arg5[%dma_start3A_312, %dma_start3A_313] : memref<94x128xf32, #tpu.memory_space<vmem_shared>> -> memref<94x128xf32, #tpu.memory_space<vmem_shared>>
      tpu.enqueue_indirect_dma source(%dma_start3A_314 : memref<94x128xf32, #tpu.memory_space<vmem_shared>>) target(%dma_start3A_309 : memref<448x128xf32, #tpu.memory_space<vmem>>) offsets(%dma_start3A_311 : memref<448xi32, #tpu.memory_space<vmem>>) semaphore(%arg10 : memref<!tpu.dma_semaphore, #tpu.memory_space<semaphore_mem>>)
    } else {
    }
    %convert_element_type3A_275 = arith.extui %eq3A_0 : i1 to i32
    %cond3A_276 = arith.constant 0 : i32
    %cond3A_277 = arith.cmpi ne, %convert_element_type3A_275, %cond3A_276 : i32
    scf.if %cond3A_277 {
      %add3A_305 = arith.constant 2400 : i32
      %add3A_306 = arith.addi %select_n3A, %add3A_305 : i32
      %dma_wait3A_307 = arith.constant 0 : i32
      %dma_wait3A_308 = arith.constant 0 : i32
      %dma_wait3A_309 = tpu.memref_slice %arg7[%dma_wait3A_307, %dma_wait3A_308] : memref<448x128xf32, #tpu.memory_space<vmem>> -> memref<448x128xf32, #tpu.memory_space<vmem>>
      %dma_wait3A_310 = arith.constant 2400 : i32
      %dma_wait3A_311 = tpu.memref_slice %arg6[%dma_wait3A_310] : memref<4128xi32, #tpu.memory_space<vmem>> -> memref<448xi32, #tpu.memory_space<vmem>>
      %dma_wait3A_312 = arith.constant 0 : i32
      %dma_wait3A_313 = arith.constant 0 : i32
      %dma_wait3A_314 = tpu.memref_slice %arg5[%dma_wait3A_312, %dma_wait3A_313] : memref<94x128xf32, #tpu.memory_space<vmem_shared>> -> memref<94x128xf32, #tpu.memory_space<vmem_shared>>
      tpu.wait_indirect_dma semaphore(%arg9 : memref<!tpu.dma_semaphore, #tpu.memory_space<semaphore_mem>>) src(%dma_wait3A_314 : memref<94x128xf32, #tpu.memory_space<vmem_shared>>) dst(%dma_wait3A_309 : memref<448x128xf32, #tpu.memory_space<vmem>>)
      %dma_start3A_315 = arith.constant 0 : i32
      %dma_start3A_316 = arith.constant 0 : i32
      %dma_start3A_317 = tpu.memref_slice %arg7[%dma_start3A_315, %dma_start3A_316] : memref<448x128xf32, #tpu.memory_space<vmem>> -> memref<448x128xf32, #tpu.memory_space<vmem>>
      %dma_start3A_318 = arith.constant 0 : i32
      %dma_start3A_319 = tpu.memref_slice %arg4[%add3A_306, %dma_start3A_318] : memref<100000x128xf32, #tpu.memory_space<hbm>> -> memref<448x128xf32, #tpu.memory_space<hbm>>
      %dma_start3A_320 = arith.constant 0 : i32
      %dma_start3A_321 = tpu.memref_slice %arg4[%add3A_306, %dma_start3A_320] : memref<100000x128xf32, #tpu.memory_space<hbm>> -> memref<448x128xf32, #tpu.memory_space<hbm>>
      %dma_start3A_322 = arith.constant 0 : i32
      %dma_start3A_323 = arith.constant 0 : i32
      %dma_start3A_324 = tpu.memref_slice %arg7[%dma_start3A_322, %dma_start3A_323] : memref<448x128xf32, #tpu.memory_space<vmem>> -> memref<448x128xf32, #tpu.memory_space<vmem>>
      tpu.enqueue_dma source(%dma_start3A_324 : memref<448x128xf32, #tpu.memory_space<vmem>>) target(%dma_start3A_321 : memref<448x128xf32, #tpu.memory_space<hbm>>) target_semaphore(%arg11 : memref<!tpu.dma_semaphore, #tpu.memory_space<semaphore_mem>>)
    } else {
    }
    %convert_element_type3A_278 = arith.extui %eq3A_0 : i1 to i32
    %cond3A_279 = arith.constant 0 : i32
    %cond3A_280 = arith.cmpi ne, %convert_element_type3A_278, %cond3A_279 : i32
    scf.if %cond3A_280 {
      %add3A_305 = arith.constant 2400 : i32
      %add3A_306 = arith.addi %select_n3A, %add3A_305 : i32
      %dma_wait3A_307 = arith.constant 0 : i32
      %dma_wait3A_308 = arith.constant 0 : i32
      %dma_wait3A_309 = tpu.memref_slice %arg7[%dma_wait3A_307, %dma_wait3A_308] : memref<448x128xf32, #tpu.memory_space<vmem>> -> memref<448x128xf32, #tpu.memory_space<vmem>>
      %dma_wait3A_310 = arith.constant 0 : i32
      %dma_wait3A_311 = tpu.memref_slice %arg4[%add3A_306, %dma_wait3A_310] : memref<100000x128xf32, #tpu.memory_space<hbm>> -> memref<448x128xf32, #tpu.memory_space<hbm>>
      %dma_wait3A_312 = arith.constant 0 : i32
      %dma_wait3A_313 = tpu.memref_slice %arg4[%add3A_306, %dma_wait3A_312] : memref<100000x128xf32, #tpu.memory_space<hbm>> -> memref<448x128xf32, #tpu.memory_space<hbm>>
      %dma_wait3A_314 = arith.constant 0 : i32
      %dma_wait3A_315 = arith.constant 0 : i32
      %dma_wait3A_316 = tpu.memref_slice %arg7[%dma_wait3A_314, %dma_wait3A_315] : memref<448x128xf32, #tpu.memory_space<vmem>> -> memref<448x128xf32, #tpu.memory_space<vmem>>
      tpu.wait_dma2 semaphore(%arg11 : memref<!tpu.dma_semaphore, #tpu.memory_space<semaphore_mem>>) src(%dma_wait3A_316 : memref<448x128xf32, #tpu.memory_space<vmem>>) dst(%dma_wait3A_313 : memref<448x128xf32, #tpu.memory_space<hbm>>)
    } else {
    }
    %convert_element_type3A_281 = arith.extui %eq3A_0 : i1 to i32
    %cond3A_282 = arith.constant 0 : i32
    %cond3A_283 = arith.cmpi ne, %convert_element_type3A_281, %cond3A_282 : i32
    scf.if %cond3A_283 {
      %add3A_305 = arith.constant 3296 : i32
      %add3A_306 = arith.addi %select_n3A, %add3A_305 : i32
      %dma_start3A_307 = arith.constant 0 : i32
      %dma_start3A_308 = arith.constant 0 : i32
      %dma_start3A_309 = tpu.memref_slice %arg7[%dma_start3A_307, %dma_start3A_308] : memref<448x128xf32, #tpu.memory_space<vmem>> -> memref<448x128xf32, #tpu.memory_space<vmem>>
      %dma_start3A_310 = arith.constant 3296 : i32
      %dma_start3A_311 = tpu.memref_slice %arg6[%dma_start3A_310] : memref<4128xi32, #tpu.memory_space<vmem>> -> memref<448xi32, #tpu.memory_space<vmem>>
      %dma_start3A_312 = arith.constant 0 : i32
      %dma_start3A_313 = arith.constant 0 : i32
      %dma_start3A_314 = tpu.memref_slice %arg5[%dma_start3A_312, %dma_start3A_313] : memref<94x128xf32, #tpu.memory_space<vmem_shared>> -> memref<94x128xf32, #tpu.memory_space<vmem_shared>>
      tpu.enqueue_indirect_dma source(%dma_start3A_314 : memref<94x128xf32, #tpu.memory_space<vmem_shared>>) target(%dma_start3A_309 : memref<448x128xf32, #tpu.memory_space<vmem>>) offsets(%dma_start3A_311 : memref<448xi32, #tpu.memory_space<vmem>>) semaphore(%arg9 : memref<!tpu.dma_semaphore, #tpu.memory_space<semaphore_mem>>)
    } else {
    }
    %convert_element_type3A_284 = arith.extui %eq3A_0 : i1 to i32
    %cond3A_285 = arith.constant 0 : i32
    %cond3A_286 = arith.cmpi ne, %convert_element_type3A_284, %cond3A_285 : i32
    scf.if %cond3A_286 {
      %add3A_305 = arith.constant 2848 : i32
      %add3A_306 = arith.addi %select_n3A, %add3A_305 : i32
      %dma_wait3A_307 = arith.constant 0 : i32
      %dma_wait3A_308 = arith.constant 0 : i32
      %dma_wait3A_309 = tpu.memref_slice %arg8[%dma_wait3A_307, %dma_wait3A_308] : memref<448x128xf32, #tpu.memory_space<vmem>> -> memref<448x128xf32, #tpu.memory_space<vmem>>
      %dma_wait3A_310 = arith.constant 2848 : i32
      %dma_wait3A_311 = tpu.memref_slice %arg6[%dma_wait3A_310] : memref<4128xi32, #tpu.memory_space<vmem>> -> memref<448xi32, #tpu.memory_space<vmem>>
      %dma_wait3A_312 = arith.constant 0 : i32
      %dma_wait3A_313 = arith.constant 0 : i32
      %dma_wait3A_314 = tpu.memref_slice %arg5[%dma_wait3A_312, %dma_wait3A_313] : memref<94x128xf32, #tpu.memory_space<vmem_shared>> -> memref<94x128xf32, #tpu.memory_space<vmem_shared>>
      tpu.wait_indirect_dma semaphore(%arg10 : memref<!tpu.dma_semaphore, #tpu.memory_space<semaphore_mem>>) src(%dma_wait3A_314 : memref<94x128xf32, #tpu.memory_space<vmem_shared>>) dst(%dma_wait3A_309 : memref<448x128xf32, #tpu.memory_space<vmem>>)
      %dma_start3A_315 = arith.constant 0 : i32
      %dma_start3A_316 = arith.constant 0 : i32
      %dma_start3A_317 = tpu.memref_slice %arg8[%dma_start3A_315, %dma_start3A_316] : memref<448x128xf32, #tpu.memory_space<vmem>> -> memref<448x128xf32, #tpu.memory_space<vmem>>
      %dma_start3A_318 = arith.constant 0 : i32
      %dma_start3A_319 = tpu.memref_slice %arg4[%add3A_306, %dma_start3A_318] : memref<100000x128xf32, #tpu.memory_space<hbm>> -> memref<448x128xf32, #tpu.memory_space<hbm>>
      %dma_start3A_320 = arith.constant 0 : i32
      %dma_start3A_321 = tpu.memref_slice %arg4[%add3A_306, %dma_start3A_320] : memref<100000x128xf32, #tpu.memory_space<hbm>> -> memref<448x128xf32, #tpu.memory_space<hbm>>
      %dma_start3A_322 = arith.constant 0 : i32
      %dma_start3A_323 = arith.constant 0 : i32
      %dma_start3A_324 = tpu.memref_slice %arg8[%dma_start3A_322, %dma_start3A_323] : memref<448x128xf32, #tpu.memory_space<vmem>> -> memref<448x128xf32, #tpu.memory_space<vmem>>
      tpu.enqueue_dma source(%dma_start3A_324 : memref<448x128xf32, #tpu.memory_space<vmem>>) target(%dma_start3A_321 : memref<448x128xf32, #tpu.memory_space<hbm>>) target_semaphore(%arg12 : memref<!tpu.dma_semaphore, #tpu.memory_space<semaphore_mem>>)
    } else {
    }
    %convert_element_type3A_287 = arith.extui %eq3A_0 : i1 to i32
    %cond3A_288 = arith.constant 0 : i32
    %cond3A_289 = arith.cmpi ne, %convert_element_type3A_287, %cond3A_288 : i32
    scf.if %cond3A_289 {
      %add3A_305 = arith.constant 2848 : i32
      %add3A_306 = arith.addi %select_n3A, %add3A_305 : i32
      %dma_wait3A_307 = arith.constant 0 : i32
      %dma_wait3A_308 = arith.constant 0 : i32
      %dma_wait3A_309 = tpu.memref_slice %arg8[%dma_wait3A_307, %dma_wait3A_308] : memref<448x128xf32, #tpu.memory_space<vmem>> -> memref<448x128xf32, #tpu.memory_space<vmem>>
      %dma_wait3A_310 = arith.constant 0 : i32
      %dma_wait3A_311 = tpu.memref_slice %arg4[%add3A_306, %dma_wait3A_310] : memref<100000x128xf32, #tpu.memory_space<hbm>> -> memref<448x128xf32, #tpu.memory_space<hbm>>
      %dma_wait3A_312 = arith.constant 0 : i32
      %dma_wait3A_313 = tpu.memref_slice %arg4[%add3A_306, %dma_wait3A_312] : memref<100000x128xf32, #tpu.memory_space<hbm>> -> memref<448x128xf32, #tpu.memory_space<hbm>>
      %dma_wait3A_314 = arith.constant 0 : i32
      %dma_wait3A_315 = arith.constant 0 : i32
      %dma_wait3A_316 = tpu.memref_slice %arg8[%dma_wait3A_314, %dma_wait3A_315] : memref<448x128xf32, #tpu.memory_space<vmem>> -> memref<448x128xf32, #tpu.memory_space<vmem>>
      tpu.wait_dma2 semaphore(%arg12 : memref<!tpu.dma_semaphore, #tpu.memory_space<semaphore_mem>>) src(%dma_wait3A_316 : memref<448x128xf32, #tpu.memory_space<vmem>>) dst(%dma_wait3A_313 : memref<448x128xf32, #tpu.memory_space<hbm>>)
    } else {
    }
    %convert_element_type3A_290 = arith.extui %eq3A_0 : i1 to i32
    %cond3A_291 = arith.constant 0 : i32
    %cond3A_292 = arith.cmpi ne, %convert_element_type3A_290, %cond3A_291 : i32
    scf.if %cond3A_292 {
      %add3A_305 = arith.constant 3744 : i32
      %add3A_306 = arith.addi %select_n3A, %add3A_305 : i32
      %dma_start3A_307 = arith.constant 0 : i32
      %dma_start3A_308 = arith.constant 0 : i32
      %dma_start3A_309 = tpu.memref_slice %arg8[%dma_start3A_307, %dma_start3A_308] : memref<448x128xf32, #tpu.memory_space<vmem>> -> memref<384x128xf32, #tpu.memory_space<vmem>>
      %dma_start3A_310 = arith.constant 3744 : i32
      %dma_start3A_311 = tpu.memref_slice %arg6[%dma_start3A_310] : memref<4128xi32, #tpu.memory_space<vmem>> -> memref<384xi32, #tpu.memory_space<vmem>>
      %dma_start3A_312 = arith.constant 0 : i32
      %dma_start3A_313 = arith.constant 0 : i32
      %dma_start3A_314 = tpu.memref_slice %arg5[%dma_start3A_312, %dma_start3A_313] : memref<94x128xf32, #tpu.memory_space<vmem_shared>> -> memref<94x128xf32, #tpu.memory_space<vmem_shared>>
      tpu.enqueue_indirect_dma source(%dma_start3A_314 : memref<94x128xf32, #tpu.memory_space<vmem_shared>>) target(%dma_start3A_309 : memref<384x128xf32, #tpu.memory_space<vmem>>) offsets(%dma_start3A_311 : memref<384xi32, #tpu.memory_space<vmem>>) semaphore(%arg10 : memref<!tpu.dma_semaphore, #tpu.memory_space<semaphore_mem>>)
    } else {
    }
    %convert_element_type3A_293 = arith.extui %eq3A_0 : i1 to i32
    %cond3A_294 = arith.constant 0 : i32
    %cond3A_295 = arith.cmpi ne, %convert_element_type3A_293, %cond3A_294 : i32
    scf.if %cond3A_295 {
      %add3A_305 = arith.constant 3296 : i32
      %add3A_306 = arith.addi %select_n3A, %add3A_305 : i32
      %dma_wait3A_307 = arith.constant 0 : i32
      %dma_wait3A_308 = arith.constant 0 : i32
      %dma_wait3A_309 = tpu.memref_slice %arg7[%dma_wait3A_307, %dma_wait3A_308] : memref<448x128xf32, #tpu.memory_space<vmem>> -> memref<448x128xf32, #tpu.memory_space<vmem>>
      %dma_wait3A_310 = arith.constant 3296 : i32
      %dma_wait3A_311 = tpu.memref_slice %arg6[%dma_wait3A_310] : memref<4128xi32, #tpu.memory_space<vmem>> -> memref<448xi32, #tpu.memory_space<vmem>>
      %dma_wait3A_312 = arith.constant 0 : i32
      %dma_wait3A_313 = arith.constant 0 : i32
      %dma_wait3A_314 = tpu.memref_slice %arg5[%dma_wait3A_312, %dma_wait3A_313] : memref<94x128xf32, #tpu.memory_space<vmem_shared>> -> memref<94x128xf32, #tpu.memory_space<vmem_shared>>
      tpu.wait_indirect_dma semaphore(%arg9 : memref<!tpu.dma_semaphore, #tpu.memory_space<semaphore_mem>>) src(%dma_wait3A_314 : memref<94x128xf32, #tpu.memory_space<vmem_shared>>) dst(%dma_wait3A_309 : memref<448x128xf32, #tpu.memory_space<vmem>>)
      %dma_start3A_315 = arith.constant 0 : i32
      %dma_start3A_316 = arith.constant 0 : i32
      %dma_start3A_317 = tpu.memref_slice %arg7[%dma_start3A_315, %dma_start3A_316] : memref<448x128xf32, #tpu.memory_space<vmem>> -> memref<448x128xf32, #tpu.memory_space<vmem>>
      %dma_start3A_318 = arith.constant 0 : i32
      %dma_start3A_319 = tpu.memref_slice %arg4[%add3A_306, %dma_start3A_318] : memref<100000x128xf32, #tpu.memory_space<hbm>> -> memref<448x128xf32, #tpu.memory_space<hbm>>
      %dma_start3A_320 = arith.constant 0 : i32
      %dma_start3A_321 = tpu.memref_slice %arg4[%add3A_306, %dma_start3A_320] : memref<100000x128xf32, #tpu.memory_space<hbm>> -> memref<448x128xf32, #tpu.memory_space<hbm>>
      %dma_start3A_322 = arith.constant 0 : i32
      %dma_start3A_323 = arith.constant 0 : i32
      %dma_start3A_324 = tpu.memref_slice %arg7[%dma_start3A_322, %dma_start3A_323] : memref<448x128xf32, #tpu.memory_space<vmem>> -> memref<448x128xf32, #tpu.memory_space<vmem>>
      tpu.enqueue_dma source(%dma_start3A_324 : memref<448x128xf32, #tpu.memory_space<vmem>>) target(%dma_start3A_321 : memref<448x128xf32, #tpu.memory_space<hbm>>) target_semaphore(%arg11 : memref<!tpu.dma_semaphore, #tpu.memory_space<semaphore_mem>>)
    } else {
    }
    %convert_element_type3A_296 = arith.extui %eq3A_0 : i1 to i32
    %cond3A_297 = arith.constant 0 : i32
    %cond3A_298 = arith.cmpi ne, %convert_element_type3A_296, %cond3A_297 : i32
    scf.if %cond3A_298 {
      %add3A_305 = arith.constant 3744 : i32
      %add3A_306 = arith.addi %select_n3A, %add3A_305 : i32
      %dma_wait3A_307 = arith.constant 0 : i32
      %dma_wait3A_308 = arith.constant 0 : i32
      %dma_wait3A_309 = tpu.memref_slice %arg8[%dma_wait3A_307, %dma_wait3A_308] : memref<448x128xf32, #tpu.memory_space<vmem>> -> memref<384x128xf32, #tpu.memory_space<vmem>>
      %dma_wait3A_310 = arith.constant 3744 : i32
      %dma_wait3A_311 = tpu.memref_slice %arg6[%dma_wait3A_310] : memref<4128xi32, #tpu.memory_space<vmem>> -> memref<384xi32, #tpu.memory_space<vmem>>
      %dma_wait3A_312 = arith.constant 0 : i32
      %dma_wait3A_313 = arith.constant 0 : i32
      %dma_wait3A_314 = tpu.memref_slice %arg5[%dma_wait3A_312, %dma_wait3A_313] : memref<94x128xf32, #tpu.memory_space<vmem_shared>> -> memref<94x128xf32, #tpu.memory_space<vmem_shared>>
      tpu.wait_indirect_dma semaphore(%arg10 : memref<!tpu.dma_semaphore, #tpu.memory_space<semaphore_mem>>) src(%dma_wait3A_314 : memref<94x128xf32, #tpu.memory_space<vmem_shared>>) dst(%dma_wait3A_309 : memref<384x128xf32, #tpu.memory_space<vmem>>)
      %dma_start3A_315 = arith.constant 0 : i32
      %dma_start3A_316 = arith.constant 0 : i32
      %dma_start3A_317 = tpu.memref_slice %arg8[%dma_start3A_315, %dma_start3A_316] : memref<448x128xf32, #tpu.memory_space<vmem>> -> memref<384x128xf32, #tpu.memory_space<vmem>>
      %dma_start3A_318 = arith.constant 0 : i32
      %dma_start3A_319 = tpu.memref_slice %arg4[%add3A_306, %dma_start3A_318] : memref<100000x128xf32, #tpu.memory_space<hbm>> -> memref<384x128xf32, #tpu.memory_space<hbm>>
      %dma_start3A_320 = arith.constant 0 : i32
      %dma_start3A_321 = tpu.memref_slice %arg4[%add3A_306, %dma_start3A_320] : memref<100000x128xf32, #tpu.memory_space<hbm>> -> memref<384x128xf32, #tpu.memory_space<hbm>>
      %dma_start3A_322 = arith.constant 0 : i32
      %dma_start3A_323 = arith.constant 0 : i32
      %dma_start3A_324 = tpu.memref_slice %arg8[%dma_start3A_322, %dma_start3A_323] : memref<448x128xf32, #tpu.memory_space<vmem>> -> memref<384x128xf32, #tpu.memory_space<vmem>>
      tpu.enqueue_dma source(%dma_start3A_324 : memref<384x128xf32, #tpu.memory_space<vmem>>) target(%dma_start3A_321 : memref<384x128xf32, #tpu.memory_space<hbm>>) target_semaphore(%arg12 : memref<!tpu.dma_semaphore, #tpu.memory_space<semaphore_mem>>)
    } else {
    }
    %convert_element_type3A_299 = arith.extui %eq3A_0 : i1 to i32
    %cond3A_300 = arith.constant 0 : i32
    %cond3A_301 = arith.cmpi ne, %convert_element_type3A_299, %cond3A_300 : i32
    scf.if %cond3A_301 {
      %add3A_305 = arith.constant 3296 : i32
      %add3A_306 = arith.addi %select_n3A, %add3A_305 : i32
      %dma_wait3A_307 = arith.constant 0 : i32
      %dma_wait3A_308 = arith.constant 0 : i32
      %dma_wait3A_309 = tpu.memref_slice %arg7[%dma_wait3A_307, %dma_wait3A_308] : memref<448x128xf32, #tpu.memory_space<vmem>> -> memref<448x128xf32, #tpu.memory_space<vmem>>
      %dma_wait3A_310 = arith.constant 0 : i32
      %dma_wait3A_311 = tpu.memref_slice %arg4[%add3A_306, %dma_wait3A_310] : memref<100000x128xf32, #tpu.memory_space<hbm>> -> memref<448x128xf32, #tpu.memory_space<hbm>>
      %dma_wait3A_312 = arith.constant 0 : i32
      %dma_wait3A_313 = tpu.memref_slice %arg4[%add3A_306, %dma_wait3A_312] : memref<100000x128xf32, #tpu.memory_space<hbm>> -> memref<448x128xf32, #tpu.memory_space<hbm>>
      %dma_wait3A_314 = arith.constant 0 : i32
      %dma_wait3A_315 = arith.constant 0 : i32
      %dma_wait3A_316 = tpu.memref_slice %arg7[%dma_wait3A_314, %dma_wait3A_315] : memref<448x128xf32, #tpu.memory_space<vmem>> -> memref<448x128xf32, #tpu.memory_space<vmem>>
      tpu.wait_dma2 semaphore(%arg11 : memref<!tpu.dma_semaphore, #tpu.memory_space<semaphore_mem>>) src(%dma_wait3A_316 : memref<448x128xf32, #tpu.memory_space<vmem>>) dst(%dma_wait3A_313 : memref<448x128xf32, #tpu.memory_space<hbm>>)
    } else {
    }
    %convert_element_type3A_302 = arith.extui %eq3A_0 : i1 to i32
    %cond3A_303 = arith.constant 0 : i32
    %cond3A_304 = arith.cmpi ne, %convert_element_type3A_302, %cond3A_303 : i32
    scf.if %cond3A_304 {
      %add3A_305 = arith.constant 3744 : i32
      %add3A_306 = arith.addi %select_n3A, %add3A_305 : i32
      %dma_wait3A_307 = arith.constant 0 : i32
      %dma_wait3A_308 = arith.constant 0 : i32
      %dma_wait3A_309 = tpu.memref_slice %arg8[%dma_wait3A_307, %dma_wait3A_308] : memref<448x128xf32, #tpu.memory_space<vmem>> -> memref<384x128xf32, #tpu.memory_space<vmem>>
      %dma_wait3A_310 = arith.constant 0 : i32
      %dma_wait3A_311 = tpu.memref_slice %arg4[%add3A_306, %dma_wait3A_310] : memref<100000x128xf32, #tpu.memory_space<hbm>> -> memref<384x128xf32, #tpu.memory_space<hbm>>
      %dma_wait3A_312 = arith.constant 0 : i32
      %dma_wait3A_313 = tpu.memref_slice %arg4[%add3A_306, %dma_wait3A_312] : memref<100000x128xf32, #tpu.memory_space<hbm>> -> memref<384x128xf32, #tpu.memory_space<hbm>>
      %dma_wait3A_314 = arith.constant 0 : i32
      %dma_wait3A_315 = arith.constant 0 : i32
      %dma_wait3A_316 = tpu.memref_slice %arg8[%dma_wait3A_314, %dma_wait3A_315] : memref<448x128xf32, #tpu.memory_space<vmem>> -> memref<384x128xf32, #tpu.memory_space<vmem>>
      tpu.wait_dma2 semaphore(%arg12 : memref<!tpu.dma_semaphore, #tpu.memory_space<semaphore_mem>>) src(%dma_wait3A_316 : memref<384x128xf32, #tpu.memory_space<vmem>>) dst(%dma_wait3A_313 : memref<384x128xf32, #tpu.memory_space<hbm>>)
    } else {
    }
    return
  }
}

</mosaic_0001>

<sc_bundles>
// kernel: _sc_gather.3.cloned.1.call-start
scs
__scs_entry_jumppad:
0x0: {  	(pc) =	sbr.rel $0x88, $3  }
0x1: {  	(tag) =	ssettag $0x0;
	lr =	simm.s32 $0x1  }
0x2: {  	[smem:$0x3F9F] =	sst lr;
	_ =	strace $0xD0000000  }
0x3: {  	_ = 	snop  }
0x4: {  	_ = 	snop  }
0x5: {  	_ = 	snop  }
0x6: {  	_ = 	snop  }
0x7: {  	_ = 	snop  }
__scs_overlays_trampoline_lowered:
0x8: {  	[smem:$0x3FAE] =	sst s0  }
0x9: {  	[smem:$0x3FAF] =	sst s1  }
0xa: {  	[smem:$0x3FB0] =	sst s2  }
0xb: {  	[smem:$0x3FB1] =	sst s3  }
0xc: {  	[smem:$0x3FB2] =	sst s4  }
0xd: {  	[smem:$0x3FB3] =	sst s5  }
0xe: {  	[smem:$0x3FB4] =	sst s6  }
0xf: {  	[smem:$0x3FB5] =	sst s7  }
0x10: {  	[smem:$0x3FB6] =	sst s8  }
0x11: {  	[smem:$0x3FB7] =	sst s9;
	s0 =	simm.s32 @!p0 $0x0  }
0x12: {  	s1 =	sld [smem:$0x3F9D];
	s0 =	simm.s32 @p0 $0x1  }
0x13: {  	[smem:$0x3FB8] =	sst s0;
	s0 =	simm.s32 @!p1 $0x0  }
0x14: {  	s2 =	sld [smem:$0x3F9C];
	s0 =	simm.s32 @p1 $0x1  }
0x15: {  	[smem:$0x3FB9] =	sst s0;
	s0 =	simm.s32 @!p2 $0x0  }
0x16: {  	s3 =	sld [smem:$0x3FDB];
	s0 =	simm.s32 @p2 $0x1  }
0x17: {  	s4 =	simm.s32 $0x1BF5;
	[smem:$0x3FBB] =	sst s0  }
0x18: {  	s0 =	sld [smem:$0x3F9E];
	_ =	swait.ge [sflag:s4], $0x0  }
0x19: {  	s7 =	sld [smem:$0x3F9F]  }
0x1a: {  	s8 =	sadd.s32 $0xFFFFE003, lr  }
0x1b: {  	s9 =	sadd.s32 $0xFFFFFEF7, lr;
	s5 =	simm.s32 $0xFFFFFFFF;
	p2 =	slt.u32 s8, $0xFFFFF086  }
0x1c: {  	p1 =	slt.u32 s9, $0xF7A;
	s5 =	simm.s32 @!p2 $0x0  }
0x1d: {  	s5 =	simm.s32 @p1 $0x1;
	p0 =	seq.s32 s7, s2  }
0x1e: {  	s7 =	smul.u32 @!p0 $0xF7A, s2;
	p2 =	seq.s32 @!p0 s5, $0x0  }
0x1f: {  	s9 =	smul.u32 $0xF7A, s1;
	s8 =	simm.s32 @!p0 $0x1BF5;
	p2 =	por !p2, p0  }
0x20: {  	[sflag:s8] =	ssyncset.s32 @!p0 $0xFFFFF086;
	s6 =	sadd.s32 @!p0 s3, s7;
	s7 =	simm.s32 @!p0 $0x108  }
0x21: {  	s3 =	sadd.s32 s3, s9;
	s6 =	sadd.s32 @!p0 $0x88, s6;
	s7 =	simm.s32 @p2 $0x1082  }
0x22: {  	[simem:s7], [sflag:s8] =	dma.local @!p0 [hbm:s6], $0xF7A  }
0x23: {  	s9 =	sor.u32 $0xD0000000, s2;
	s6 =	simm.s32 $0x108;
	_ =	swait.ge @!p0 [sflag:s8], $0x0  }
0x24: {  	s3 =	sadd.s32 $0x88, s3;
	s6 =	simm.s32 @!p1 $0x1082;
	[sflag:s4] =	ssyncset.s32 $0xFFFFF086  }
0x25: {  	[simem:s6], [sflag:s4] =	dma.local [hbm:s3], $0xF7A  }
0x26: {  	[smem:$0x3F9F] =	sst s1;
	(tag) =	ssettag s2;
	_ =	strace s9  }
0x27: {  	s1 =	sld [smem:$0x3FAF]  }
0x28: {  	s2 =	sld [smem:$0x3FB0]  }
0x29: {  	s4 =	sld [smem:$0x3FB2]  }
0x2a: {  	p0 =	seq.s32 s5, $0x0;
	s5 =	sld [smem:$0x3FB3]  }
0x2b: {  	s6 =	sld [smem:$0x3FB4]  }
0x2c: {  	s7 =	sld [smem:$0x3FB5]  }
0x2d: {  	s3 =	simm.s32 $0x108;
	s8 =	sld [smem:$0x3FB6]  }
0x2e: {  	s3 =	simm.s32 @!p0 $0x1082;
	s9 =	sld [smem:$0x3FB7]  }
0x2f: {  	lr =	sadd.s32 s0, s3;
	s0 =	sld [smem:$0x3FAE]  }
0x30: {  	s3 =	sld [smem:$0x3FB1]  }
0x31: {  	[smem:$0x3FBA] =	sst s10  }
0x32: {  	s10 =	sld [smem:$0x3FB8];
	_ =	sdelay $0x3  }
0x33: {  	p0 =	seq.s32 s10, $0x1;
	s10 =	sld [smem:$0x3FBA];
	_ =	sdelay $0x3  }
0x34: {  	[smem:$0x3FBA] =	sst s10  }
0x35: {  	s10 =	sld [smem:$0x3FB9];
	_ =	sdelay $0x3  }
0x36: {  	p1 =	seq.s32 s10, $0x1;
	s10 =	sld [smem:$0x3FBA];
	_ =	sdelay $0x3  }
0x37: {  	[smem:$0x3FBA] =	sst s10  }
0x38: {  	s10 =	sld [smem:$0x3FBB]  }
0x39: {  	_ = 	snop;
	(pc) =	sbr.ind lr, $3  }
0x3a: {  	_ = 	snop  }
0x3b: {  	_ = 	snop  }
0x3c: {  	p2 =	seq.s32 s10, $0x1;
	s10 =	sld [smem:$0x3FBA]  }
0x3d: {  	_ =	shalt  }
0x3e: {  	_ =	shalt  }
0x3f: {  	_ =	shalt  }
0x40: {  	_ =	shalt  }
0x41: {  	_ =	shalt  }
0x42: {  	_ =	shalt  }
0x43: {  	_ =	shalt  }
0x44: {  	_ =	shalt  }
0x45: {  	_ =	shalt  }
0x46: {  	_ =	shalt  }
0x47: {  	_ =	shalt  }
0x48: {  	_ =	shalt  }
0x49: {  	_ =	shalt  }
0x4a: {  	_ =	shalt  }
0x4b: {  	_ =	shalt  }
0x4c: {  	_ =	shalt  }
0x4d: {  	_ =	shalt  }
0x4e: {  	_ =	shalt  }
0x4f: {  	_ =	shalt  }
0x50: {  	_ =	shalt  }
0x51: {  	_ =	shalt  }
0x52: {  	_ =	shalt  }
0x53: {  	_ =	shalt  }
0x54: {  	_ =	shalt  }
0x55: {  	_ =	shalt  }
0x56: {  	_ =	shalt  }
0x57: {  	_ =	shalt  }
0x58: {  	_ =	shalt  }
0x59: {  	_ =	shalt  }
0x5a: {  	_ =	shalt  }
0x5b: {  	_ =	shalt  }
0x5c: {  	_ =	shalt  }
0x5d: {  	_ =	shalt  }
0x5e: {  	_ =	shalt  }
0x5f: {  	_ =	shalt  }
0x60: {  	_ =	shalt  }
0x61: {  	_ =	shalt  }
0x62: {  	_ =	shalt  }
0x63: {  	_ =	shalt  }
0x64: {  	_ =	shalt  }
0x65: {  	_ =	shalt  }
0x66: {  	_ =	shalt  }
0x67: {  	_ =	shalt  }
0x68: {  	_ =	shalt  }
0x69: {  	_ =	shalt  }
0x6a: {  	_ =	shalt  }
0x6b: {  	_ =	shalt  }
0x6c: {  	_ =	shalt  }
0x6d: {  	_ =	shalt  }
0x6e: {  	_ =	shalt  }
0x6f: {  	_ =	shalt  }
0x70: {  	_ =	shalt  }
0x71: {  	_ =	shalt  }
0x72: {  	_ =	shalt  }
0x73: {  	_ =	shalt  }
0x74: {  	_ =	shalt  }
0x75: {  	_ =	shalt  }
0x76: {  	_ =	shalt  }
0x77: {  	_ =	shalt  }
0x78: {  	_ =	shalt  }
0x79: {  	_ =	shalt  }
0x7a: {  	_ =	shalt  }
0x7b: {  	_ =	shalt  }
0x7c: {  	_ =	shalt  }
0x7d: {  	_ =	shalt  }
0x7e: {  	_ =	shalt  }
0x7f: {  	_ =	shalt  }
0x80: {  	_ =	shalt  }
0x81: {  	_ =	shalt  }
0x82: {  	_ =	shalt  }
0x83: {  	_ =	shalt  }
0x84: {  	_ =	shalt  }
0x85: {  	_ =	shalt  }
0x86: {  	_ =	shalt  }
0x87: {  	_ =	shalt  }
.Lfunc_end0:
.L_simem_size_0:
called_computation_lowered:
.L_overlay_start_0:
0x88: {  	s2 =	sld [smem:$0x3FD9]  }
0x89: {  	s3 =	sld [smem:$0x3FFE];
	_ =	sdelay $0x1  }
0x8a: {  	s1 =	srdreg.scid  }
0x8b: {  	s0 =	sand.u32 $0x1, s1  }
0x8c: {  	s18 =	sshll.u32 s0, $0xA;
	s2 =	sadd.s32 s3, s2  }
0x8d: {  	s2 =	sadd.s32 s2, s18  }
0x8e: {  	[smem:$0x3FC6] =	sst s2  }
0x8f: {  	_ = 	snop  }
0x90: {  	s2 =	sld [smem:$0x3FC9]  }
0x91: {  	s19 =	sld [smem:$0x3FC8]  }
0x92: {  	s4 =	sld [smem:$0x3FD0];
	(tm) =	ssettm $0x1  }
0x93: {  	s5 =	sld [smem:$0x3FFB];
	_ =	sdelay $0x3  }
0x94: {  	_ =	strace s5  }
0x95: {  	s5 =	sld [smem:$0x3FFC];
	_ =	sdelay $0x3  }
0x96: {  	_ =	strace s5  }
0x97: {  	s5 =	sld [smem:$0x3FFD];
	_ =	sdelay $0x3  }
0x98: {  	_ =	strace s5  }
0x99: {  	_ =	strace $0x8FFFFFFF  }
0x9a: {  	s20 =	sld [smem:$0x3FDB];
	_ =	sdelay $0x1  }
0x9b: {  	s6 =	simm.s32 $_scs_section_size  }
0x9c: {  	s7 =	simm.s32 $_size__tile_overlayer_lowered;
	s8 =	simm.s32 $_tile_overlayer_lowered  }
0x9d: {  	s23 =	simm.s32 $0x1BFF;
	s22 =	sshll.u32 s8, $0x1;
	s5 =	sadd.s32 s6, s20  }
0x9e: {  	s9 =	simm.s32 $0x0;
	s21 =	sshll.u32 s7, $0x1;
	s7 =	sadd.s32 s22, s5  }
0x9f: {  	[timem:s9], [sflag:s23] =	dma.local [hbm:s7], s21  }
0xa0: {  	_ =	swait.ge [sflag:s23], s21  }
0xa1: {  	s6 =	ssub.s32 $0x0, s21;
	[sflag:s23] =	ssyncset.done $0x0  }
0xa2: {  	[sflag:s23] =	ssyncadd.s32 s6;
	_ =	sdelay $0x1  }
0xa3: {  	s24 =	simm.s32 $0x1B8B  }
0xa4: {  	_ =	swait.ge [sflag:s24], $0x1  }
0xa5: {  	[sflag:s24] =	ssyncset.done $0x0  }
0xa6: {  	s25 =	simm.s32 $0x1B8E;
	[sflag:s24] =	ssyncadd.s32 $0xFFFFFFFF  }
0xa7: {  	s26 =	simm.s32 $execute0_lowered;
	[smem:$0x3FD2] =	sst s25  }
0xa8: {  	s6 =	sshll.u32 s26, $0x1;
	_ =	strace $0x80000046;
	[dreg:$0x1] =	wrdreg $0xFFFFFFFF  }
0xa9: {  	s28 =	simm.s32 $_size_execute0_lowered;
	s5 =	sadd.s32 s5, s6;
	[dreg:$0x0] =	wrdreg $0x0  }
0xaa: {  	s6 =	sshll.u32 s28, $0x1;
	[dreg:$0x2] =	wrdreg s5  }
0xab: {  	[dreg:$0x3] =	wrdreg s6  }
0xac: {  	[dreg:$0x4] =	wrdreg $0xC0  }
0xad: {  	_ =	task [dreg:s9], $0x5FFFF  }
0xae: {  	[dreg:$0x1] =	wrdreg $0xFFFFFFFF  }
0xaf: {  	[dreg:$0x0] =	wrdreg $0x60  }
0xb0: {  	[dreg:$0x2] =	wrdreg s2  }
0xb1: {  	[dreg:$0x3] =	wrdreg s19  }
0xb2: {  	[dreg:$0x4] =	wrdreg s4  }
0xb3: {  	[dreg:$0x5] =	wrdreg $0x0  }
0xb4: {  	[dreg:$0x6] =	wrdreg $0x9  }
0xb5: {  	_ =	task.clear_ibuf [dreg:s9], $0x7FFFF;
	_ =	strace $0x90000046  }
0xb6: {  	s29 =	simm.s32 $0x9;
	_ =	strace $0x80000048  }
0xb7: {  	_ =	swait.ge [sflag:s29], $0x1  }
0xb8: {  	[sflag:s29] =	ssyncadd.s32 $0xFFFFFFFF  }
0xb9: {  	_ =	strace $0x90000048  }
0xba: {  	_ =	sfence  }
0xbb: {  	s30 =	sld [smem:$0x0];
	_ =	sdelay $0x2  }
0xbc: {  	s31 =	sshll.u32 s1, $0xD;
	s1 =	sshrl.u32 s1, $0x2  }
0xbd: {  	s3 =	sand.u32 $0x4000, s31;
	s1 =	sadd.s32 s1, s30  }
0xbe: {  	s0 =	sor.u32 s3, s0;
	s1 =	sshll.u32 s1, $0x11  }
0xbf: {  	s0 =	sor.u32 s1, s0  }
0xc0: {  	s0 =	sadd.s32 $0x8F2B, s0  }
0xc1: {  	[sflag:s0] =	ssyncadd.remote.s32 $0x1  }
0xc2: {  	_ =	sfence.sel $0xFFFF  }
0xc3: {  	[dreg:$0x0] =	wrdreg $0xFFFFFFFF;
	(pc) =	sbr.abs _section_cstart, $3  }
0xc4: {  	[dreg:$0x1] =	wrdreg $0xFFFFFFFF  }
0xc5: {  	_ =	task.clear_ibuf [dreg:s9], $0x2FFFF;
	_ =	strace $0x9FFFFFFF  }
0xc6: {  	(tm) =	ssettm $0x7FFFFFFF  }
0xc7: {  	_ =	shalt  }
tec
execute0_lowered:
.L_overlay_start_1:
0x0: {  	(tag) =	ssettag $0x1  }
0x1: {  	s0 =	rddreg [dreg:$0x1]  }
0x2: {  	s6 =	rddreg [dreg:$0x2]  }
0x3: {  	s2 =	rddreg [dreg:$0x3]  }
0x4: {  	s3 =	srdreg.scid;
	s7 =	stileid.u32;
	s18 =	simm.s32 $0x2F0  }
0x5: {  	s19 =	simm.s32 $0xA0;
	s20 =	simm.s32 $0x1370;
	s21 =	simm.s32 $0x1C0  }
0x6: {  	s28 =	simm.s32 $0x2;
	s29 =	simm.s32 $0x4;
	s30 =	simm.s32 $0x710  }
0x7: {  	s31 =	simm.s32 $0x8D0;
	s4 =	sand.u32 $0x1, s3;
	s9 =	smul.u32 $0x1020, s7  }
0x8: {  	s3 =	simm.s32 $0x0;
	p1 =	seq.s32 s7, $0xF;
	s22 =	smul.u32 $0x848, s7  }
0x9: {  	p2 =	sne.s32 s7, $0xF;
	p3 =	sne.s32 s7, $0x0;
	s7 =	simm.s32 $0xA90  }
0xa: {  	s5 =	ssub.s32 $0x2, s4;
	[smem:$0x7FF] =	sst s3;
	p0 =	seq.s32 s4, $0x0  }
0xb: {  	s8 =	sshrl.u32 s5, $0x1;
	_ =	strace $0x80000047;
	p1 =	por !p0, !p1  }
0xc: {  	s4 =	sadd.s32 $0x10200, s22;
	s23 =	sshrl.u32 s9, $0x3;
	p2 =	por !p0, !p2  }
0xd: {  	s22 =	simm.s32 $0x390;
	s17 =	ssub.s32 s5, s8;
	p1 =	por !p1, !p1  }
0xe: {  	s9 =	smov.u32 @p0 s4;
	p2 =	por !p2, !p2;
	s24 =	sshrl.u32 s4, $0x3  }
0xf: {  	s4 =	sadd.s32 s0, s23;
	s23 =	simm.s32 $0xF370;
	s9 =	sshll.u32 s9, $0x4  }
0x10: {  	s5 =	sadd.s32 s0, s24;
	s0 =	sadd.s32 $0x2FC7, s0;
	s17 =	smax.u32 s17, $0x1  }
0x11: {  	s24 =	simm.s32 $0x1;
	s6 =	sadd.s32 s6, s9;
	[dreg:$0x5] =	wrdreg s0  }
.Ltmp0:
0x12: {  	s0 =	simm.s32 $0x5;
	s8 =	sadd.s32 $0xA00, s6;
	(pc) =	sbr.rel .LBB2_1-.Ltmp0, $4  }
0x13: {  	s9 =	sadd.s32 $0x2600, s6;
	s10 =	sadd.s32 $0x4200, s6;
	s11 =	sadd.s32 $0x5E00, s6  }
0x14: {  	s12 =	sadd.s32 $0x7A00, s6;
	s25 =	sadd.s32 $0x9600, s6;
	s26 =	sadd.s32 $0xB200, s6  }
0x15: {  	s15 =	sadd.s32 $0xCE00, s6;
	s16 =	sadd.s32 $0xEA00, s6;
	[dreg:$0x6] =	wrdreg s25  }
0x16: {  	[dreg:$0x7] =	wrdreg s26;
	s25 =	simm.s32 $0x3;
	s26 =	simm.s32 $0x550  }
.LBB2_14:
0x17: {  	_ =	swait.ge [sflag:s24], $0xE000  }
0x18: {  	[sflag:s24] =	ssyncset.done $0x0  }
0x19: {  	[sflag:s24] =	ssyncadd.s32 $0xFFFF2000  }
0x1a: {  	[hbm4b:s11+s3] =	stream.linear.scatter [tilespmem:s20], [sflag:$0x3], $0xE000, $0x38;
	[tilespmem:$0x1D370] =	vst v63  }
0x1b: {  	_ =	swait.ge [sflag:s25], $0xE000  }
0x1c: {  	[sflag:s25] =	ssyncset.done $0x0  }
0x1d: {  	[sflag:s25] =	ssyncadd.s32 $0xFFFF2000  }
.LBB2_15:
0x1e: {  	s1 =	simm.s32 @p2 $0x2  }
0x1f: {  	_ =	swait.ge @p2 [sflag:s1], $0x5400  }
0x20: {  	[sflag:s1] =	ssyncset.done @p2 $0x0  }
0x21: {  	s13 =	simm.s32 @p2 $0xF370;
	[sflag:s1] =	ssyncadd.s32 @p2 $0xFFFFAC00;
	s1 =	simm.s32 @p2 $0x0  }
0x22: {  	[hbm4b:s12+s1] =	stream.linear.scatter @p2 [tilespmem:s13], [sflag:$0x4], $0x5400, $0x38;
	[tilespmem:$0x1D370] =	vst v63  }
0x23: {  	s1 =	simm.s32 @p1 $0x2  }
0x24: {  	_ =	swait.ge @p1 [sflag:s1], $0x6400  }
0x25: {  	[sflag:s1] =	ssyncset.done @p1 $0x0  }
0x26: {  	s13 =	simm.s32 @p1 $0xF370;
	[sflag:s1] =	ssyncadd.s32 @p1 $0xFFFF9C00;
	s1 =	simm.s32 @p1 $0x0  }
0x27: {  	[hbm4b:s12+s1] =	stream.linear.scatter @p1 [tilespmem:s13], [sflag:$0x4], $0x6400, $0x38;
	[tilespmem:$0x1D370] =	vst v63  }
0x28: {  	s1 =	simm.s32 @p2 $0x4  }
0x29: {  	_ =	swait.ge @p2 [sflag:s1], $0x5400  }
0x2a: {  	[sflag:s1] =	ssyncset.done @p2 $0x0  }
0x2b: {  	[sflag:s1] =	ssyncadd.s32 @p2 $0xFFFFAC00;
	s1 =	simm.s32 @p1 $0x4  }
0x2c: {  	_ =	swait.ge @p1 [sflag:s1], $0x6400  }
0x2d: {  	[sflag:s1] =	ssyncset.done @p1 $0x0  }
0x2e: {  	[sflag:s1] =	ssyncadd.s32 @p1 $0xFFFF9C00  }
.LBB2_16:
0x2f: {  	s17 =	sadd.s32 $0xFFFFFFFF, s17  }
0x30: {  	p4 =	sne.s32 s17, $0x0  }
.Ltmp1:
0x31: {  	_ = 	snop;
	(pc) =	sbr.rel @!p4 .LBB2_17-.Ltmp1, $1  }
0x32: {  	_ =	sdelay $0x3  }
.LBB2_1:
.Ltmp2:
0x33: {  	(pc) =	sbr.rel @!p0 .LBB2_2-.Ltmp2, $1  }
0x34: {  	_ =	sdelay $0x3  }
.Ltmp3:
0x35: {  	(pc) =	sbr.rel @!p1 .LBB2_3-.Ltmp3, $3  }
0x36: {  	_ =	sdelay $0x1  }
0x37: {  	s1 =	simm.s32 @p2 $0x0;
	s13 =	simm.s32 @p2 $0x2F0  }
0x38: {  	[tilespmem:s13], [sflag:$0x5] =	stream.linear.gather @p2 [hbm4b:s5+s1], $0x848, $0x38;
	[tilespmem:$0x1D370] =	vst v63  }
.Ltmp4:
0x39: {  	(pc) =	sbr.rel .LBB2_7-.Ltmp4, $3  }
0x3a: {  	s1 =	rddreg [dreg:$0x5]  }
0x3b: {  	[tilespmem:s18], [sflag:$0x5] =	stream.linear.gather [hbm4b:s1+s3], $0x868, $0x38;
	[tilespmem:$0x1D370] =	vst v63  }
0x3c: {  	[bflag:$0x0] =	sbarrier.arrive $0xFFFF;
	_ =	sdelay $0x1  }
.LBB2_2:
0x3d: {  	[tilespmem:s18], [sflag:$0x5] =	stream.linear.gather [hbm4b:s4+s3], $0x1020, $0x38;
	[tilespmem:$0x1D370] =	vst v63  }
.LBB2_3:
0x3e: {  	s1 =	sshrl.u32 @!p3 s2, $0x3;
	s13 =	simm.s32 @!p3 $0x1C06;
	s14 =	rddreg [dreg:$0x0]  }
0x3f: {  	[spmem:s1], [sflag:s13] =	dma.local @!p3 [hbm:s14], $0x5E0  }
0x40: {  	s1 =	simm.s32 @!p3 $0x6  }
.Ltmp5:
0x41: {  	_ =	swait.ge @!p3 [sflag:s1], $0x5E0;
	(pc) =	sbr.rel @!p0 .LBB2_4-.Ltmp5, $3  }
0x42: {  	[sflag:s1] =	ssyncset.done @!p3 $0x0  }
0x43: {  	[sflag:s1] =	ssyncadd.s32 @!p3 $0xFFFFFA20  }
0x44: {  	[bflag:$0x0] =	sbarrier.arrive $0xFFFF;
	_ =	sdelay $0x1  }
.LBB2_7:
0x45: {  	s1 =	simm.s32 @p2 $0x5  }
0x46: {  	_ =	swait.ge @p2 [sflag:s1], $0x848  }
.Ltmp6:
0x47: {  	[sflag:s1] =	ssyncset.done @p2 $0x0;
	(pc) =	sbr.rel .LBB2_8-.Ltmp6, $4  }
0x48: {  	[sflag:s1] =	ssyncadd.s32 @p2 $0xFFFFF7B8;
	s1 =	simm.s32 @p1 $0x5  }
0x49: {  	_ =	swait.ge @p1 [sflag:s1], $0x868  }
0x4a: {  	[sflag:s1] =	ssyncset.done @p1 $0x0  }
0x4b: {  	[sflag:s1] =	ssyncadd.s32 @p1 $0xFFFFF798  }
.LBB2_4:
0x4c: {  	_ =	swait.ge [sflag:s0], $0x1020  }
0x4d: {  	[sflag:s0] =	ssyncset.done $0x0  }
0x4e: {  	[sflag:s0] =	ssyncadd.s32 $0xFFFFEFE0  }
.LBB2_8:
0x4f: {  	[tilespmem:s20], [sflag:$0x1] =	stream.indirect.gather [spmem:s2], $0x80, s18, s19, $0xb8;
	[tilespmem:$0x1D370] =	vst v63  }
0x50: {  	_ = 	snop  }
0x51: {  	[tilespmem:s23], [sflag:$0x2] =	stream.indirect.gather [spmem:s2], $0x80, s22, s21, $0xb8;
	[tilespmem:$0x1D370] =	vst v63  }
0x52: {  	_ =	swait.ge [sflag:s24], $0x5000  }
0x53: {  	[sflag:s24] =	ssyncset.done $0x0  }
0x54: {  	[sflag:s24] =	ssyncadd.s32 $0xFFFFB000  }
0x55: {  	[hbm4b:s6+s3] =	stream.linear.scatter [tilespmem:s20], [sflag:$0x3], $0x5000, $0x38;
	[tilespmem:$0x1D370] =	vst v63  }
0x56: {  	_ =	swait.ge [sflag:s25], $0x5000  }
0x57: {  	[sflag:s25] =	ssyncset.done $0x0  }
0x58: {  	[sflag:s25] =	ssyncadd.s32 $0xFFFFB000  }
0x59: {  	[tilespmem:s20], [sflag:$0x1] =	stream.indirect.gather [spmem:s2], $0x80, s26, s21, $0xb8;
	[tilespmem:$0x1D370] =	vst v63  }
0x5a: {  	_ =	swait.ge [sflag:s28], $0xE000  }
0x5b: {  	[sflag:s28] =	ssyncset.done $0x0  }
0x5c: {  	[sflag:s28] =	ssyncadd.s32 $0xFFFF2000  }
0x5d: {  	[hbm4b:s8+s3] =	stream.linear.scatter [tilespmem:s23], [sflag:$0x4], $0xE000, $0x38;
	[tilespmem:$0x1D370] =	vst v63  }
0x5e: {  	_ =	swait.ge [sflag:s29], $0xE000  }
0x5f: {  	[sflag:s29] =	ssyncset.done $0x0  }
0x60: {  	[sflag:s29] =	ssyncadd.s32 $0xFFFF2000  }
0x61: {  	[tilespmem:s23], [sflag:$0x2] =	stream.indirect.gather [spmem:s2], $0x80, s30, s21, $0xb8;
	[tilespmem:$0x1D370] =	vst v63  }
0x62: {  	_ =	swait.ge [sflag:s24], $0xE000  }
0x63: {  	[sflag:s24] =	ssyncset.done $0x0  }
0x64: {  	[sflag:s24] =	ssyncadd.s32 $0xFFFF2000  }
0x65: {  	[hbm4b:s9+s3] =	stream.linear.scatter [tilespmem:s20], [sflag:$0x3], $0xE000, $0x38;
	[tilespmem:$0x1D370] =	vst v63  }
0x66: {  	_ =	swait.ge [sflag:s25], $0xE000  }
0x67: {  	[sflag:s25] =	ssyncset.done $0x0  }
0x68: {  	[sflag:s25] =	ssyncadd.s32 $0xFFFF2000  }
0x69: {  	[tilespmem:s20], [sflag:$0x1] =	stream.indirect.gather [spmem:s2], $0x80, s31, s21, $0xb8;
	[tilespmem:$0x1D370] =	vst v63  }
0x6a: {  	_ =	swait.ge [sflag:s28], $0xE000  }
0x6b: {  	[sflag:s28] =	ssyncset.done $0x0  }
0x6c: {  	[sflag:s28] =	ssyncadd.s32 $0xFFFF2000  }
0x6d: {  	[hbm4b:s10+s3] =	stream.linear.scatter [tilespmem:s23], [sflag:$0x4], $0xE000, $0x38;
	[tilespmem:$0x1D370] =	vst v63  }
.Ltmp7:
0x6e: {  	_ = 	snop;
	(pc) =	sbr.rel @!p1 .LBB2_10-.Ltmp7, $4  }
0x6f: {  	_ =	swait.ge [sflag:s29], $0xE000  }
0x70: {  	s1 =	simm.s32 @p2 $0xA8;
	[sflag:s29] =	ssyncset.done $0x0  }
0x71: {  	s13 =	simm.s32 @p2 $0xA90;
	s14 =	simm.s32 @p2 $0xF370;
	[sflag:s29] =	ssyncadd.s32 $0xFFFF2000  }
0x72: {  	[tilespmem:s14], [sflag:$0x2] =	stream.indirect.gather @p2 [spmem:s2], $0x80, s13, s1, $0xb8;
	[tilespmem:$0x1D370] =	vst v63  }
.Ltmp8:
0x73: {  	(pc) =	sbr.rel .LBB2_12-.Ltmp8, $3  }
0x74: {  	_ =	sdelay $0x1  }
0x75: {  	s1 =	simm.s32 $0xC8  }
0x76: {  	[tilespmem:s23], [sflag:$0x2] =	stream.indirect.gather [spmem:s2], $0x80, s7, s1, $0xb8;
	[tilespmem:$0x1D370] =	vst v63  }
.LBB2_10:
.Ltmp9:
0x77: {  	(pc) =	sbr.rel @p0 .LBB2_14-.Ltmp9, $1  }
0x78: {  	_ =	sdelay $0x3  }
0x79: {  	[tilespmem:s23], [sflag:$0x2] =	stream.indirect.gather [spmem:s2], $0x80, s7, s21, $0xb8;
	[tilespmem:$0x1D370] =	vst v63  }
.LBB2_12:
0x7a: {  	_ =	swait.ge [sflag:s24], $0xE000  }
0x7b: {  	[sflag:s24] =	ssyncset.done $0x0  }
.Ltmp10:
0x7c: {  	[sflag:s24] =	ssyncadd.s32 $0xFFFF2000;
	(pc) =	sbr.rel @p0 .LBB2_15-.Ltmp10, $4  }
0x7d: {  	[hbm4b:s11+s3] =	stream.linear.scatter [tilespmem:s20], [sflag:$0x3], $0xE000, $0x38;
	[tilespmem:$0x1D370] =	vst v63  }
0x7e: {  	_ =	swait.ge [sflag:s25], $0xE000  }
0x7f: {  	[sflag:s25] =	ssyncset.done $0x0  }
0x80: {  	[sflag:s25] =	ssyncadd.s32 $0xFFFF2000  }
0x81: {  	s1 =	simm.s32 $0xC50  }
0x82: {  	[tilespmem:s20], [sflag:$0x1] =	stream.indirect.gather [spmem:s2], $0x80, s1, s21, $0xb8;
	[tilespmem:$0x1D370] =	vst v63  }
0x83: {  	_ =	swait.ge [sflag:s28], $0xE000  }
0x84: {  	[sflag:s28] =	ssyncset.done $0x0  }
0x85: {  	[sflag:s28] =	ssyncadd.s32 $0xFFFF2000  }
0x86: {  	[hbm4b:s12+s3] =	stream.linear.scatter [tilespmem:s23], [sflag:$0x4], $0xE000, $0x38;
	[tilespmem:$0x1D370] =	vst v63  }
0x87: {  	_ =	swait.ge [sflag:s29], $0xE000  }
0x88: {  	[sflag:s29] =	ssyncset.done $0x0  }
0x89: {  	s14 =	simm.s32 $0xE10;
	[sflag:s29] =	ssyncadd.s32 $0xFFFF2000  }
0x8a: {  	[tilespmem:s23], [sflag:$0x2] =	stream.indirect.gather [spmem:s2], $0x80, s14, s21, $0xb8;
	[tilespmem:$0x1D370] =	vst v63  }
0x8b: {  	_ =	swait.ge [sflag:s24], $0xE000  }
0x8c: {  	[sflag:s24] =	ssyncset.done $0x0  }
0x8d: {  	s13 =	rddreg [dreg:$0x6];
	[sflag:s24] =	ssyncadd.s32 $0xFFFF2000  }
0x8e: {  	[hbm4b:s13+s3] =	stream.linear.scatter [tilespmem:s20], [sflag:$0x3], $0xE000, $0x38;
	[tilespmem:$0x1D370] =	vst v63  }
0x8f: {  	_ =	swait.ge [sflag:s25], $0xE000  }
0x90: {  	[sflag:s25] =	ssyncset.done $0x0  }
0x91: {  	s14 =	simm.s32 $0xFD0;
	[sflag:s25] =	ssyncadd.s32 $0xFFFF2000  }
0x92: {  	[tilespmem:s20], [sflag:$0x1] =	stream.indirect.gather [spmem:s2], $0x80, s14, s21, $0xb8;
	[tilespmem:$0x1D370] =	vst v63  }
0x93: {  	_ =	swait.ge [sflag:s28], $0xE000  }
0x94: {  	[sflag:s28] =	ssyncset.done $0x0  }
0x95: {  	s13 =	rddreg [dreg:$0x7];
	[sflag:s28] =	ssyncadd.s32 $0xFFFF2000  }
0x96: {  	[hbm4b:s13+s3] =	stream.linear.scatter [tilespmem:s23], [sflag:$0x4], $0xE000, $0x38;
	[tilespmem:$0x1D370] =	vst v63  }
0x97: {  	_ =	swait.ge [sflag:s29], $0xE000  }
0x98: {  	[sflag:s29] =	ssyncset.done $0x0  }
0x99: {  	s14 =	simm.s32 $0x180;
	s13 =	simm.s32 $0x1190;
	[sflag:s29] =	ssyncadd.s32 $0xFFFF2000  }
0x9a: {  	[tilespmem:s23], [sflag:$0x2] =	stream.indirect.gather [spmem:s2], $0x80, s13, s14, $0xb8;
	[tilespmem:$0x1D370] =	vst v63  }
0x9b: {  	_ =	swait.ge [sflag:s24], $0xE000  }
0x9c: {  	[sflag:s24] =	ssyncset.done $0x0  }
0x9d: {  	[sflag:s24] =	ssyncadd.s32 $0xFFFF2000  }
0x9e: {  	[hbm4b:s15+s3] =	stream.linear.scatter [tilespmem:s20], [sflag:$0x3], $0xE000, $0x38;
	[tilespmem:$0x1D370] =	vst v63  }
0x9f: {  	_ =	swait.ge [sflag:s28], $0xC000  }
0xa0: {  	[sflag:s28] =	ssyncset.done $0x0  }
0xa1: {  	[sflag:s28] =	ssyncadd.s32 $0xFFFF4000  }
0xa2: {  	[hbm4b:s16+s3] =	stream.linear.scatter [tilespmem:s23], [sflag:$0x4], $0xC000, $0x38;
	[tilespmem:$0x1D370] =	vst v63  }
0xa3: {  	_ =	swait.ge [sflag:s25], $0xE000  }
.Ltmp11:
0xa4: {  	[sflag:s25] =	ssyncset.done $0x0;
	(pc) =	sbr.rel .LBB2_16-.Ltmp11, $4  }
0xa5: {  	[sflag:s25] =	ssyncadd.s32 $0xFFFF2000  }
0xa6: {  	_ =	swait.ge [sflag:s29], $0xC000  }
0xa7: {  	[sflag:s29] =	ssyncset.done $0x0  }
0xa8: {  	[sflag:s29] =	ssyncadd.s32 $0xFFFF4000  }
.LBB2_17:
0xa9: {  	_ =	sfence.sel $0x180000  }
0xaa: {  	[bflag:$0x0] =	sbarrier.arrive $0xFFFF  }
0xab: {  	_ =	strace $0x90000047  }
0xac: {  	[bflag:$0x2] =	sbarrier.arrive $0xFFFF  }
0xad: {  	s0 =	rddreg [dreg:$0x4]  }
0xae: {  	s0 =	sadd.s32 @!p3 $0x100000, s0  }
0xaf: {  	[sflag:s0] =	ssyncadd.tile.s32 @!p3 $0x1;
	_ =	shalt  }
.Lfunc_end2:
_tile_overlayer_lowered:
.L_overlay_start_2:
0xb0: {  	(tag) =	ssettag $0x2  }
0xb1: {  	s0 =	rddreg [dreg:$0x0];
	s2 =	stileid.u32  }
0xb2: {  	s1 =	rddreg [dreg:$0x1];
	p0 =	sne.s32 s2, $0x0  }
0xb3: {  	s3 =	rddreg [dreg:$0x2];
	[bflag:$0x3] =	sbarrier.arrive $0xFFFF;
	s2 =	simm.s32 @!p0 $0x1C06  }
0xb4: {  	[timem:s3], [sflag:s2] =	dma.local @!p0 [hbm:s0], s1  }
0xb5: {  	s0 =	simm.s32 @!p0 $0x6  }
0xb6: {  	_ =	swait.ge @!p0 [sflag:s0], s1  }
0xb7: {  	s1 =	ssub.s32 @!p0 $0x0, s1;
	[sflag:s0] =	ssyncset.done @!p0 $0x0  }
0xb8: {  	[sflag:s0] =	ssyncadd.s32 @!p0 s1  }
0xb9: {  	[bflag:$0x3] =	sbarrier.arrive $0xFFFF  }
0xba: {  	_ =	shalt  }

</sc_bundles>
